<compile_context>
chip_gen: v7x
topology: tpu7x:2x2x1
jax: 0.10.2.dev20260603
libtpu: 0.0.44.dev20260713+nightly
codegen_flags: <defaults>
</compile_context>

<pallas_src>
import functools

import jax
import jax.numpy as jnp
from jax import lax
from jax.experimental import pallas as pl
from jax.experimental.pallas import tpu as pltpu
from jax.experimental.pallas import tpu_sc as plsc

_CHUNK = 80


def _sc_dims():
    try:
        info = plsc.get_sparse_core_info()
        return info.num_cores, info.num_subcores
    except Exception:
        return 2, 16


def _fill_1d(ref, n, value):
    v = jnp.full((16,), value, jnp.float32)

    def body(j, c):
        ref[pl.ds(j * 16, 16)] = v
        return c

    lax.fori_loop(0, n // 16, body, 0)


def _zero_2d(ref, rows, cols):
    z = jnp.zeros((16,), jnp.float32)
    per_row = cols // 16

    def body(j, c):
        ref[j // per_row, pl.ds((j % per_row) * 16, 16)] = z
        return c

    lax.fori_loop(0, rows * per_row, body, 0)


def _make_prep_kernel(E, N, n_pad, D):
    NC, NS = _sc_dims()
    n_chunks = E // (NS * _CHUNK)
    stripe = n_pad // NS
    xrows = 320
    mesh = plsc.VectorSubcoreMesh(core_axis_name="c", subcore_axis_name="s")

    @functools.partial(
        pl.kernel,
        out_type=[
            jax.ShapeDtypeStruct((N, D), jnp.float32),
            jax.ShapeDtypeStruct((n_pad,), jnp.float32),
        ],
        mesh=mesh,
        scratch_types=[
            pltpu.VMEM((n_chunks, _CHUNK), jnp.int32),
            pltpu.VMEM((_CHUNK,), jnp.float32),
            pltpu.VMEM((stripe + 16,), jnp.float32),
            pltpu.VMEM((xrows, D), jnp.float32),
            pltpu.VMEM_SHARED((n_pad,), jnp.float32),
            pltpu.SemaphoreType.DMA,
        ],
    )
    def prep_kernel(x_hbm, dst2_hbm, xs_out, dinv_out,
                    idx_v, ones_v, dbuf_v, xbuf_v, deg_sh, sem):
        cid = lax.axis_index("c")
        sid = lax.axis_index("s")
        _fill_1d(dbuf_v, stripe + 16, 0.0)
        _fill_1d(ones_v, _CHUNK, 1.0)
        pltpu.sync_copy(dst2_hbm.at[sid], idx_v)
        pltpu.sync_copy(dbuf_v.at[pl.ds(0, stripe)], deg_sh.at[pl.ds(sid * stripe, stripe)])
        plsc.subcore_barrier()

        def body(i, c):
            pltpu.async_copy(ones_v, deg_sh.at[idx_v.at[i]], sem, add=True)
            return c

        lax.fori_loop(0, n_chunks, body, 0)
        rowstart = jnp.minimum(sid * stripe + cid * xrows, N - xrows)
        pltpu.sync_copy(x_hbm.at[pl.ds(rowstart, xrows)], xbuf_v)

        def drain(i, c):
            pltpu.make_async_copy(ones_v, deg_sh.at[idx_v.at[0]], sem).wait()
            return c

        lax.fori_loop(0, n_chunks, drain, 0)
        plsc.subcore_barrier()

        pltpu.sync_copy(deg_sh.at[pl.ds(sid * stripe, stripe)], dbuf_v.at[pl.ds(0, stripe)])

        def newton(j, c):
            d = dbuf_v[pl.ds(j * 16, 16)] + 1.0
            bits = lax.bitcast_convert_type(d, jnp.int32)
            y = lax.bitcast_convert_type(
                jnp.int32(0x5F3759DF) - (bits >> 1), jnp.float32
            )
            y = y * (1.5 - 0.5 * d * y * y)
            y = y * (1.5 - 0.5 * d * y * y)
            y = y * (1.5 - 0.5 * d * y * y)
            dbuf_v[pl.ds(j * 16, 16)] = y
            return c

        lax.fori_loop(0, stripe // 16, newton, 0)

        @pl.when(cid == 0)
        def _():
            pltpu.sync_copy(
                dbuf_v.at[pl.ds(0, stripe)],
                dinv_out.at[pl.ds(sid * stripe, stripe)],
            )

        dbase = rowstart - sid * stripe

        def srow(r, c):
            y = dbuf_v[pl.ds(dbase + r, 16)][0]
            for j in range(D // 16):
                xbuf_v[r, pl.ds(j * 16, 16)] = xbuf_v[r, pl.ds(j * 16, 16)] * y
            return c

        lax.fori_loop(0, xrows, srow, 0)
        pltpu.sync_copy(xbuf_v, xs_out.at[pl.ds(rowstart, xrows)])

    return prep_kernel


def _make_msg_kernel(E, n_pad, D):
    NC, NS = _sc_dims()
    NW = NC * NS
    epw_pad = ((E // NW + 127) // 128) * 128
    n_chunks = epw_pad // 128
    half = 40
    stripe = n_pad // NS
    mesh = plsc.VectorSubcoreMesh(core_axis_name="c", subcore_axis_name="s")

    @functools.partial(
        pl.kernel,
        out_type=jax.ShapeDtypeStruct((NC, n_pad, D), jnp.float32),
        mesh=mesh,
        scratch_types=[
            pltpu.VMEM((min(half, n_chunks), 128), jnp.int32),
            pltpu.VMEM((n_chunks, 128), jnp.int32),
            pltpu.VMEM((2, 128, D), jnp.float32),
            pltpu.VMEM_SHARED((n_pad, D), jnp.float32),
            pltpu.SemaphoreType.DMA,
            pltpu.SemaphoreType.DMA,
            pltpu.SemaphoreType.DMA,
            pltpu.SemaphoreType.DMA,
        ],
    )
    def msg_kernel(xs_hbm, src3_hbm, dst3_hbm, out_hbm,
                   sidx_v, didx_v, rows_v, acc_sh, gsem0, gsem1, ssem0, ssem1):
        cid = lax.axis_index("c")
        sid = lax.axis_index("s")
        wid = cid * NS + sid
        row0 = sid * stripe
        pltpu.sync_copy(src3_hbm.at[wid, pl.ds(0, min(half, n_chunks))], sidx_v)
        pltpu.sync_copy(dst3_hbm.at[wid], didx_v)
        pltpu.async_copy(
            xs_hbm.at[sidx_v.at[0, pl.ds(0, 64)]],
            rows_v.at[1, pl.ds(0, 64)],
            gsem1,
        )
        pltpu.async_copy(
            xs_hbm.at[sidx_v.at[0, pl.ds(64, 64)]],
            rows_v.at[1, pl.ds(64, 64)],
            gsem1,
        )
        zrows = 40
        _zero_2d(rows_v.at[0], zrows, D)

        def zbody(r, c):
            pltpu.sync_copy(
                rows_v.at[0, pl.ds(0, zrows)],
                acc_sh.at[pl.ds(row0 + r * zrows, zrows)],
            )
            return c

        lax.fori_loop(0, stripe // zrows, zbody, 0)
        plsc.subcore_barrier()

        def gfire(i, buf, gsem):
            r = i % half
            pltpu.async_copy(
                xs_hbm.at[sidx_v.at[r, pl.ds(0, 64)]],
                rows_v.at[buf, pl.ds(0, 64)],
                gsem,
            )
            pltpu.async_copy(
                xs_hbm.at[sidx_v.at[r, pl.ds(64, 64)]],
                rows_v.at[buf, pl.ds(64, 64)],
                gsem,
            )

        def gwait(buf, gsem):
            for _q in range(2):
                pltpu.make_async_copy(
                    xs_hbm.at[sidx_v.at[0, pl.ds(0, 64)]],
                    rows_v.at[buf, pl.ds(0, 64)],
                    gsem,
                ).wait()

        def sfire(i, buf, ssem):
            pltpu.async_copy(
                rows_v.at[buf], acc_sh.at[didx_v.at[i]], ssem, add=True
            )

        def sdrain(buf, ssem):
            pltpu.make_async_copy(
                rows_v.at[buf], acc_sh.at[didx_v.at[0]], ssem
            ).wait()

        def halfstep(i, cur, cgsem, cssem, nxt, ngsem, nssem):
            @pl.when(i >= 1)
            def _():
                sdrain(nxt, nssem)

            @pl.when((i + 1 < n_chunks) & (i + 1 != half))
            def _():
                gfire(i + 1, nxt, ngsem)

            gwait(cur, cgsem)
            sfire(i, cur, cssem)

            @pl.when((i + 1 == half) & (i + 1 < n_chunks))
            def _():
                pltpu.sync_copy(
                    src3_hbm.at[wid, pl.ds(half, n_chunks - half)],
                    sidx_v.at[pl.ds(0, n_chunks - half)],
                )
                gfire(i + 1, nxt, ngsem)

        def body(k, c):
            halfstep(2 * k, 1, gsem1, ssem1, 0, gsem0, ssem0)

            @pl.when(2 * k + 1 < n_chunks)
            def _():
                halfstep(2 * k + 1, 0, gsem0, ssem0, 1, gsem1, ssem1)

            return c

        lax.fori_loop(0, (n_chunks + 1) // 2, body, 0)
        sdrain((n_chunks - 1) % 2, ssem0 if (n_chunks - 1) % 2 == 1 else ssem1)
        plsc.subcore_barrier()
        pltpu.sync_copy(
            acc_sh.at[pl.ds(row0, stripe)],
            out_hbm.at[cid, pl.ds(row0, stripe)],
        )

    return msg_kernel


def _final_body(acc_ref, xs_ref, dinv_ref, w_ref, b_ref, out_ref):
    h = (acc_ref[0] + acc_ref[1] + xs_ref[...]) * dinv_ref[...]
    out_ref[...] = (
        jnp.dot(h, w_ref[...], preferred_element_type=jnp.float32) + b_ref[...]
    )


def _make_final_kernel(N, D, block_rows):
    return pl.pallas_call(
        _final_body,
        grid=(N // block_rows,),
        in_specs=[
            pl.BlockSpec((2, block_rows, D), lambda i: (0, i, 0)),
            pl.BlockSpec((block_rows, D), lambda i: (i, 0)),
            pl.BlockSpec((block_rows, 1), lambda i: (i, 0)),
            pl.BlockSpec((D, D), lambda i: (0, 0)),
            pl.BlockSpec((1, D), lambda i: (0, 0)),
        ],
        out_specs=pl.BlockSpec((block_rows, D), lambda i: (i, 0)),
        out_shape=jax.ShapeDtypeStruct((N, D), jnp.float32),
    )


def kernel(x, edge_index, W, b):
    N, D = x.shape
    E = edge_index.shape[1]
    NC, NS = _sc_dims()
    unit = NS * _CHUNK
    n_pad = ((N + unit - 1) // unit) * unit

    ei = edge_index.astype(jnp.int32)
    NW = NC * NS
    e_per_w = E // NW
    dst2d = ei[1].reshape(NS, E // NS // _CHUNK, _CHUNK)
    epw_pad = ((e_per_w + 127) // 128) * 128
    pad = ((0, 0), (0, epw_pad - e_per_w))
    src3 = jnp.pad(ei[0].reshape(NW, e_per_w), pad).reshape(
        NW, epw_pad // 128, 128
    )
    dst3 = jnp.pad(
        ei[1].reshape(NW, e_per_w), pad, constant_values=n_pad - 1
    ).reshape(NW, epw_pad // 128, 128)
    xs, dinv = _make_prep_kernel(E, N, n_pad, D)(x, dst2d)

    acc_part = _make_msg_kernel(E, n_pad, D)(xs, src3, dst3)

    block_rows = 1000 if N % 1000 == 0 else 8
    out = _make_final_kernel(N, D, block_rows)(
        acc_part, xs, dinv.reshape(n_pad, 1), W, b.reshape(1, D)
    )
    return out

# --- scband reference (transcript-rebuilt; emitter-appended) ---
"""Pipeline reference for scband-our-model-layer-51462298141236 (READ-ONLY COPY).

The authoritative reference and input builder live on the scoring server;
editing this copy changes nothing except your own understanding.
"""

import jax, jax.numpy as jnp
import numpy as np

N_NODES = 10000
N_EDGES = 320000
D_IN = 128
D_OUT = 128


def setup_inputs(seed: int = 0) -> dict:
    key = jax.random.key(seed)
    k_x, k_e, k_w = jax.random.split(key, 3)
    x = jax.random.normal(k_x, (N_NODES, D_IN), dtype=jnp.float32)
    edge_index = jax.random.randint(k_e, (2, N_EDGES), 0, N_NODES, dtype=jnp.int64)
    # glorot-uniform weight [heads*in, heads*out] = [128, 128]
    limit = float(np.sqrt(6.0 / (D_IN + D_OUT)))
    W = jax.random.uniform(k_w, (D_IN, D_OUT), dtype=jnp.float32, minval=-limit, maxval=limit)
    b = jnp.zeros((D_OUT,), dtype=jnp.float32)
    return {"x": x, "edge_index": edge_index, "W": W, "b": b}


def _gcn_propagate(x, edge_index):
    # BbGCN backbone: add self loops + symmetric normalization + scatter-add aggregation
    N = x.shape[0]
    src = edge_index[0]
    dst = edge_index[1]
    loop = jnp.arange(N, dtype=src.dtype)
    src = jnp.concatenate([src, loop])
    dst = jnp.concatenate([dst, loop])
    deg = jnp.zeros((N,), dtype=x.dtype).at[dst].add(1.0)
    dinv = jnp.where(deg > 0, jax.lax.rsqrt(deg), 0.0)
    norm = dinv[src] * dinv[dst]
    msg = jnp.take(x, src, axis=0) * norm[:, None]
    out = jnp.zeros((N, x.shape[1]), dtype=x.dtype).at[dst].add(msg)
    return out


def reference(x, edge_index, W, b):
    # eval mode: no node/edge/message dropping (drop_rate=0)
    out = _gcn_propagate(x, edge_index)
    out = out @ W
    out = out + b
    return out

if __name__ == "__main__":
    import jax
    _d = setup_inputs()
    print(jax.jit(kernel)(*tuple(_d.values())))

</pallas_src>

<mosaic_0001>
#map = affine_map<(d0, d1) -> (0, 0)>
#map1 = affine_map<(d0, d1) -> (0, 0, 0)>
#map2 = affine_map<(d0, d1) -> (0)>
module attributes {stable_mosaic.version = 14 : i64} {
  func.func @prep_kernel(%arg0: i32, %arg1: i32, %arg2: memref<10000x128xf32, #tpu.memory_space<hbm>>, %arg3: memref<16x250x80xi32, #tpu.memory_space<hbm>>, %arg4: memref<10000x128xf32, #tpu.memory_space<hbm>>, %arg5: memref<10240xf32, #tpu.memory_space<hbm>>, %arg6: memref<250x80xi32, #tpu.memory_space<vmem>>, %arg7: memref<80xf32, #tpu.memory_space<vmem>>, %arg8: memref<656xf32, #tpu.memory_space<vmem>>, %arg9: memref<320x128xf32, #tpu.memory_space<vmem>>, %arg10: memref<10240xf32, #tpu.memory_space<vmem_shared>>, %arg11: memref<!tpu.dma_semaphore, #tpu.memory_space<semaphore_mem>>) attributes {dimension_semantics = [#tpu.dimension_semantics<core_parallel>, #tpu.dimension_semantics<subcore_parallel>], iteration_bounds = array<i64: 2, 16>, scalar_prefetch = 0 : i64, scratch_operands = 6 : i64, tpu.core_type = #tpu.core_type<sc_vector_subcore>, window_params = [{transform_indices = #map}, {transform_indices = #map1}, {transform_indices = #map}, {transform_indices = #map2}]} {
    %broadcast_in_dim3A = arith.constant 0.000000e+00 : f32
    %broadcast_in_dim3A_0 = vector.broadcast %broadcast_in_dim3A : f32 to vector<16xf32>
    %scan3A = arith.constant 0 : i32
    %scan3A_1 = arith.constant 0 : i32
    %scan3A_2 = arith.constant 41 : i32
    %scan3A_3 = arith.addi %scan3A_1, %scan3A_2 : i32
    %scan3A_4 = arith.constant 1 : i32
    scf.for %scan3A_51 = %scan3A_1 to %scan3A_3 step %scan3A_4  : i32 {
      %mul3A_52 = arith.constant 16 : i32
      %mul3A_53 = arith.muli %scan3A_51, %mul3A_52 : i32
      %swap3A = arith.index_cast %mul3A_53 : i32 to index
      %swap3A_54 = tpu.vector_load %arg8[%swap3A] {strides = array<i32>} : memref<656xf32, #tpu.memory_space<vmem>>, vector<16xf32>,
      %swap3A_55 = vector.shape_cast %swap3A_54 : vector<16xf32> to vector<16xf32>
      %swap3A_56 = vector.shape_cast %broadcast_in_dim3A_0 : vector<16xf32> to vector<16xf32>
      tpu.vector_store %arg8[%swap3A], %swap3A_56 {strides = array<i32>} : memref<656xf32, #tpu.memory_space<vmem>>, vector<16xf32>,
    }
    %scan3A_5 = arith.constant 41 : i32
    %broadcast_in_dim3A_6 = arith.constant 1.000000e+00 : f32
    %broadcast_in_dim3A_7 = vector.broadcast %broadcast_in_dim3A_6 : f32 to vector<16xf32>
    %scan3A_8 = arith.constant 0 : i32
    %scan3A_9 = arith.constant 0 : i32
    %scan3A_10 = arith.constant 5 : i32
    %scan3A_11 = arith.addi %scan3A_9, %scan3A_10 : i32
    %scan3A_12 = arith.constant 1 : i32
    scf.for %scan3A_51 = %scan3A_9 to %scan3A_11 step %scan3A_12  : i32 {
      %mul3A_52 = arith.constant 16 : i32
      %mul3A_53 = arith.muli %scan3A_51, %mul3A_52 : i32
      %swap3A = arith.index_cast %mul3A_53 : i32 to index
      %swap3A_54 = tpu.vector_load %arg7[%swap3A] {strides = array<i32>} : memref<80xf32, #tpu.memory_space<vmem>>, vector<16xf32>,
      %swap3A_55 = vector.shape_cast %swap3A_54 : vector<16xf32> to vector<16xf32>
      %swap3A_56 = vector.shape_cast %broadcast_in_dim3A_7 : vector<16xf32> to vector<16xf32>
      tpu.vector_store %arg7[%swap3A], %swap3A_56 {strides = array<i32>} : memref<80xf32, #tpu.memory_space<vmem>>, vector<16xf32>,
    }
    %scan3A_13 = arith.constant 5 : i32
    "tpu.region"() ({
      %run_scoped3A = tpu.sem_alloc : memref<!tpu.dma_semaphore, #tpu.memory_space<semaphore_mem>>
      %dma_start3A = arith.constant 0 : i32
      %dma_start3A_51 = arith.constant 0 : i32
      %dma_start3A_52 = tpu.memref_slice %arg3[%arg1, %dma_start3A, %dma_start3A_51] : memref<16x250x80xi32, #tpu.memory_space<hbm>> -> memref<1x250x80xi32, #tpu.memory_space<hbm>>
      %dma_start3A_53 = tpu.memref_squeeze %dma_start3A_52 : memref<1x250x80xi32, #tpu.memory_space<hbm>> -> memref<250x80xi32, #tpu.memory_space<hbm>>
      %dma_start3A_54 = arith.constant 0 : i32
      %dma_start3A_55 = arith.constant 0 : i32
      %dma_start3A_56 = tpu.memref_slice %arg3[%arg1, %dma_start3A_54, %dma_start3A_55] : memref<16x250x80xi32, #tpu.memory_space<hbm>> -> memref<1x250x80xi32, #tpu.memory_space<hbm>>
      %dma_start3A_57 = tpu.memref_squeeze %dma_start3A_56 : memref<1x250x80xi32, #tpu.memory_space<hbm>> -> memref<250x80xi32, #tpu.memory_space<hbm>>
      tpu.enqueue_dma source(%dma_start3A_57 : memref<250x80xi32, #tpu.memory_space<hbm>>) target(%arg6 : memref<250x80xi32, #tpu.memory_space<vmem>>) target_semaphore(%run_scoped3A : memref<!tpu.dma_semaphore, #tpu.memory_space<semaphore_mem>>)
      %dma_wait3A = arith.constant 0 : i32
      %dma_wait3A_58 = arith.constant 0 : i32
      %dma_wait3A_59 = tpu.memref_slice %arg3[%arg1, %dma_wait3A, %dma_wait3A_58] : memref<16x250x80xi32, #tpu.memory_space<hbm>> -> memref<1x250x80xi32, #tpu.memory_space<hbm>>
      %dma_wait3A_60 = tpu.memref_squeeze %dma_wait3A_59 : memref<1x250x80xi32, #tpu.memory_space<hbm>> -> memref<250x80xi32, #tpu.memory_space<hbm>>
      %dma_wait3A_61 = arith.constant 0 : i32
      %dma_wait3A_62 = arith.constant 0 : i32
      %dma_wait3A_63 = tpu.memref_slice %arg3[%arg1, %dma_wait3A_61, %dma_wait3A_62] : memref<16x250x80xi32, #tpu.memory_space<hbm>> -> memref<1x250x80xi32, #tpu.memory_space<hbm>>
      %dma_wait3A_64 = tpu.memref_squeeze %dma_wait3A_63 : memref<1x250x80xi32, #tpu.memory_space<hbm>> -> memref<250x80xi32, #tpu.memory_space<hbm>>
      tpu.wait_dma2 semaphore(%run_scoped3A : memref<!tpu.dma_semaphore, #tpu.memory_space<semaphore_mem>>) src(%dma_wait3A_64 : memref<250x80xi32, #tpu.memory_space<hbm>>) dst(%arg6 : memref<250x80xi32, #tpu.memory_space<vmem>>)
      tpu.yield
    }) : () -> ()
    %mul3A = arith.constant 640 : i32
    %mul3A_14 = arith.muli %arg1, %mul3A : i32
    "tpu.region"() ({
      %run_scoped3A = tpu.sem_alloc : memref<!tpu.dma_semaphore, #tpu.memory_space<semaphore_mem>>
      %dma_start3A = arith.constant 0 : i32
      %dma_start3A_51 = tpu.memref_slice %arg8[%dma_start3A] : memref<656xf32, #tpu.memory_space<vmem>> -> memref<640xf32, #tpu.memory_space<vmem>>
      %dma_start3A_52 = tpu.memref_slice %arg10[%mul3A_14] : memref<10240xf32, #tpu.memory_space<vmem_shared>> -> memref<640xf32, #tpu.memory_space<vmem_shared>>
      %dma_start3A_53 = tpu.memref_slice %arg10[%mul3A_14] : memref<10240xf32, #tpu.memory_space<vmem_shared>> -> memref<640xf32, #tpu.memory_space<vmem_shared>>
      %dma_start3A_54 = arith.constant 0 : i32
      %dma_start3A_55 = tpu.memref_slice %arg8[%dma_start3A_54] : memref<656xf32, #tpu.memory_space<vmem>> -> memref<640xf32, #tpu.memory_space<vmem>>
      tpu.enqueue_dma source(%dma_start3A_55 : memref<640xf32, #tpu.memory_space<vmem>>) target(%dma_start3A_53 : memref<640xf32, #tpu.memory_space<vmem_shared>>) target_semaphore(%run_scoped3A : memref<!tpu.dma_semaphore, #tpu.memory_space<semaphore_mem>>)
      %dma_wait3A = arith.constant 0 : i32
      %dma_wait3A_56 = tpu.memref_slice %arg8[%dma_wait3A] : memref<656xf32, #tpu.memory_space<vmem>> -> memref<640xf32, #tpu.memory_space<vmem>>
      %dma_wait3A_57 = tpu.memref_slice %arg10[%mul3A_14] : memref<10240xf32, #tpu.memory_space<vmem_shared>> -> memref<640xf32, #tpu.memory_space<vmem_shared>>
      %dma_wait3A_58 = tpu.memref_slice %arg10[%mul3A_14] : memref<10240xf32, #tpu.memory_space<vmem_shared>> -> memref<640xf32, #tpu.memory_space<vmem_shared>>
      %dma_wait3A_59 = arith.constant 0 : i32
      %dma_wait3A_60 = tpu.memref_slice %arg8[%dma_wait3A_59] : memref<656xf32, #tpu.memory_space<vmem>> -> memref<640xf32, #tpu.memory_space<vmem>>
      tpu.wait_dma2 semaphore(%run_scoped3A : memref<!tpu.dma_semaphore, #tpu.memory_space<semaphore_mem>>) src(%dma_wait3A_60 : memref<640xf32, #tpu.memory_space<vmem>>) dst(%dma_wait3A_58 : memref<640xf32, #tpu.memory_space<vmem_shared>>)
      tpu.yield
    }) : () -> ()
    %barrier3A = arith.constant 0 : index
    tpu.barrier barrier_id(%barrier3A)
    %scan3A_15 = arith.constant 0 : i32
    %scan3A_16 = arith.constant 0 : i32
    %scan3A_17 = arith.constant 250 : i32
    %scan3A_18 = arith.addi %scan3A_16, %scan3A_17 : i32
    %scan3A_19 = arith.constant 1 : i32
    scf.for %scan3A_51 = %scan3A_16 to %scan3A_18 step %scan3A_19  : i32 {
      %dma_start3A = arith.constant 0 : i32
      %dma_start3A_52 = tpu.memref_slice %arg6[%scan3A_51, %dma_start3A] : memref<250x80xi32, #tpu.memory_space<vmem>> -> memref<1x80xi32, #tpu.memory_space<vmem>>
      %dma_start3A_53 = tpu.memref_squeeze %dma_start3A_52 : memref<1x80xi32, #tpu.memory_space<vmem>> -> memref<80xi32, #tpu.memory_space<vmem>>
      %dma_start3A_54 = arith.constant 0 : i32
      %dma_start3A_55 = tpu.memref_slice %arg10[%dma_start3A_54] : memref<10240xf32, #tpu.memory_space<vmem_shared>> -> memref<10240xf32, #tpu.memory_space<vmem_shared>>
      tpu.enqueue_indirect_dma source(%arg7 : memref<80xf32, #tpu.memory_space<vmem>>) target(%dma_start3A_55 : memref<10240xf32, #tpu.memory_space<vmem_shared>>) offsets(%dma_start3A_53 : memref<80xi32, #tpu.memory_space<vmem>>) semaphore(%arg11 : memref<!tpu.dma_semaphore, #tpu.memory_space<semaphore_mem>>) {add = true}
    }
    %scan3A_20 = arith.constant 250 : i32
    %mul3A_21 = arith.constant 640 : i32
    %mul3A_22 = arith.muli %arg1, %mul3A_21 : i32
    %mul3A_23 = arith.constant 320 : i32
    %mul3A_24 = arith.muli %arg0, %mul3A_23 : i32
    %add3A = arith.addi %mul3A_22, %mul3A_24 : i32
    %min3A = arith.constant 9680 : i32
    %min3A_25 = arith.minsi %add3A, %min3A : i32
    "tpu.region"() ({
      %run_scoped3A = tpu.sem_alloc : memref<!tpu.dma_semaphore, #tpu.memory_space<semaphore_mem>>
      %dma_start3A = arith.constant 0 : i32
      %dma_start3A_51 = tpu.memref_slice %arg2[%min3A_25, %dma_start3A] : memref<10000x128xf32, #tpu.memory_space<hbm>> -> memref<320x128xf32, #tpu.memory_space<hbm>>
      %dma_start3A_52 = arith.constant 0 : i32
      %dma_start3A_53 = tpu.memref_slice %arg2[%min3A_25, %dma_start3A_52] : memref<10000x128xf32, #tpu.memory_space<hbm>> -> memref<320x128xf32, #tpu.memory_space<hbm>>
      tpu.enqueue_dma source(%dma_start3A_53 : memref<320x128xf32, #tpu.memory_space<hbm>>) target(%arg9 : memref<320x128xf32, #tpu.memory_space<vmem>>) target_semaphore(%run_scoped3A : memref<!tpu.dma_semaphore, #tpu.memory_space<semaphore_mem>>)
      %dma_wait3A = arith.constant 0 : i32
      %dma_wait3A_54 = tpu.memref_slice %arg2[%min3A_25, %dma_wait3A] : memref<10000x128xf32, #tpu.memory_space<hbm>> -> memref<320x128xf32, #tpu.memory_space<hbm>>
      %dma_wait3A_55 = arith.constant 0 : i32
      %dma_wait3A_56 = tpu.memref_slice %arg2[%min3A_25, %dma_wait3A_55] : memref<10000x128xf32, #tpu.memory_space<hbm>> -> memref<320x128xf32, #tpu.memory_space<hbm>>
      tpu.wait_dma2 semaphore(%run_scoped3A : memref<!tpu.dma_semaphore, #tpu.memory_space<semaphore_mem>>) src(%dma_wait3A_56 : memref<320x128xf32, #tpu.memory_space<hbm>>) dst(%arg9 : memref<320x128xf32, #tpu.memory_space<vmem>>)
      tpu.yield
    }) : () -> ()
    %scan3A_26 = arith.constant 0 : i32
    %scan3A_27 = arith.constant 0 : i32
    %scan3A_28 = arith.constant 250 : i32
    %scan3A_29 = arith.addi %scan3A_27, %scan3A_28 : i32
    %scan3A_30 = arith.constant 1 : i32
    scf.for %scan3A_51 = %scan3A_27 to %scan3A_29 step %scan3A_30  : i32 {
      %dma_wait3A = arith.constant 0 : i32
      %dma_wait3A_52 = arith.constant 0 : i32
      %dma_wait3A_53 = tpu.memref_slice %arg6[%dma_wait3A, %dma_wait3A_52] : memref<250x80xi32, #tpu.memory_space<vmem>> -> memref<1x80xi32, #tpu.memory_space<vmem>>
      %dma_wait3A_54 = tpu.memref_squeeze %dma_wait3A_53 : memref<1x80xi32, #tpu.memory_space<vmem>> -> memref<80xi32, #tpu.memory_space<vmem>>
      %dma_wait3A_55 = arith.constant 0 : i32
      %dma_wait3A_56 = tpu.memref_slice %arg10[%dma_wait3A_55] : memref<10240xf32, #tpu.memory_space<vmem_shared>> -> memref<10240xf32, #tpu.memory_space<vmem_shared>>
      tpu.wait_indirect_dma semaphore(%arg11 : memref<!tpu.dma_semaphore, #tpu.memory_space<semaphore_mem>>) src(%arg7 : memref<80xf32, #tpu.memory_space<vmem>>) dst(%dma_wait3A_56 : memref<10240xf32, #tpu.memory_space<vmem_shared>>)
    }
    %scan3A_31 = arith.constant 250 : i32
    %barrier3A_32 = arith.constant 0 : index
    tpu.barrier barrier_id(%barrier3A_32)
    %mul3A_33 = arith.constant 640 : i32
    %mul3A_34 = arith.muli %arg1, %mul3A_33 : i32
    "tpu.region"() ({
      %run_scoped3A = tpu.sem_alloc : memref<!tpu.dma_semaphore, #tpu.memory_space<semaphore_mem>>
      %dma_start3A = arith.constant 0 : i32
      %dma_start3A_51 = tpu.memref_slice %arg8[%dma_start3A] : memref<656xf32, #tpu.memory_space<vmem>> -> memref<640xf32, #tpu.memory_space<vmem>>
      %dma_start3A_52 = tpu.memref_slice %arg10[%mul3A_34] : memref<10240xf32, #tpu.memory_space<vmem_shared>> -> memref<640xf32, #tpu.memory_space<vmem_shared>>
      %dma_start3A_53 = arith.constant 0 : i32
      %dma_start3A_54 = tpu.memref_slice %arg8[%dma_start3A_53] : memref<656xf32, #tpu.memory_space<vmem>> -> memref<640xf32, #tpu.memory_space<vmem>>
      %dma_start3A_55 = tpu.memref_slice %arg10[%mul3A_34] : memref<10240xf32, #tpu.memory_space<vmem_shared>> -> memref<640xf32, #tpu.memory_space<vmem_shared>>
      tpu.enqueue_dma source(%dma_start3A_55 : memref<640xf32, #tpu.memory_space<vmem_shared>>) target(%dma_start3A_54 : memref<640xf32, #tpu.memory_space<vmem>>) target_semaphore(%run_scoped3A : memref<!tpu.dma_semaphore, #tpu.memory_space<semaphore_mem>>)
      %dma_wait3A = arith.constant 0 : i32
      %dma_wait3A_56 = tpu.memref_slice %arg8[%dma_wait3A] : memref<656xf32, #tpu.memory_space<vmem>> -> memref<640xf32, #tpu.memory_space<vmem>>
      %dma_wait3A_57 = tpu.memref_slice %arg10[%mul3A_34] : memref<10240xf32, #tpu.memory_space<vmem_shared>> -> memref<640xf32, #tpu.memory_space<vmem_shared>>
      %dma_wait3A_58 = arith.constant 0 : i32
      %dma_wait3A_59 = tpu.memref_slice %arg8[%dma_wait3A_58] : memref<656xf32, #tpu.memory_space<vmem>> -> memref<640xf32, #tpu.memory_space<vmem>>
      %dma_wait3A_60 = tpu.memref_slice %arg10[%mul3A_34] : memref<10240xf32, #tpu.memory_space<vmem_shared>> -> memref<640xf32, #tpu.memory_space<vmem_shared>>
      tpu.wait_dma2 semaphore(%run_scoped3A : memref<!tpu.dma_semaphore, #tpu.memory_space<semaphore_mem>>) src(%dma_wait3A_60 : memref<640xf32, #tpu.memory_space<vmem_shared>>) dst(%dma_wait3A_59 : memref<640xf32, #tpu.memory_space<vmem>>)
      tpu.yield
    }) : () -> ()
    %scan3A_35 = arith.constant 0 : i32
    %scan3A_36 = arith.constant 0 : i32
    %scan3A_37 = arith.constant 40 : i32
    %scan3A_38 = arith.addi %scan3A_36, %scan3A_37 : i32
    %scan3A_39 = arith.constant 1 : i32
    scf.for %scan3A_51 = %scan3A_36 to %scan3A_38 step %scan3A_39  : i32 {
      %mul3A_52 = arith.constant 16 : i32
      %mul3A_53 = arith.muli %scan3A_51, %mul3A_52 : i32
      %get3A = arith.index_cast %mul3A_53 : i32 to index
      %get3A_54 = tpu.vector_load %arg8[%get3A] {strides = array<i32>} : memref<656xf32, #tpu.memory_space<vmem>>, vector<16xf32>,
      %get3A_55 = vector.shape_cast %get3A_54 : vector<16xf32> to vector<16xf32>
      %add3A_56 = arith.constant 1.000000e+00 : f32
      %add3A_57 = vector.broadcast %add3A_56 : f32 to vector<16xf32>
      %add3A_58 = arith.addf %get3A_55, %add3A_57 : vector<16xf32>
      %bitcast_convert_type3A = tpu.bitcast %add3A_58 : vector<16xf32> -> vector<16xi32>
      %shift_right_arithmetic3A = arith.constant 1 : i32
      %shift_right_arithmetic3A_59 = vector.broadcast %shift_right_arithmetic3A : i32 to vector<16xi32>
      %shift_right_arithmetic3A_60 = arith.shrsi %bitcast_convert_type3A, %shift_right_arithmetic3A_59 : vector<16xi32>
      %sub3A_61 = arith.constant 1597463007 : i32
      %sub3A_62 = vector.broadcast %sub3A_61 : i32 to vector<16xi32>
      %sub3A_63 = arith.subi %sub3A_62, %shift_right_arithmetic3A_60 : vector<16xi32>
      %bitcast_convert_type3A_64 = tpu.bitcast %sub3A_63 : vector<16xi32> -> vector<16xf32>
      %mul3A_65 = arith.constant 5.000000e-01 : f32
      %mul3A_66 = vector.broadcast %mul3A_65 : f32 to vector<16xf32>
      %mul3A_67 = arith.mulf %mul3A_66, %add3A_58 : vector<16xf32>
      %mul3A_68 = arith.mulf %mul3A_67, %bitcast_convert_type3A_64 : vector<16xf32>
      %mul3A_69 = arith.mulf %mul3A_68, %bitcast_convert_type3A_64 : vector<16xf32>
      %sub3A_70 = arith.constant 1.500000e+00 : f32
      %sub3A_71 = vector.broadcast %sub3A_70 : f32 to vector<16xf32>
      %sub3A_72 = arith.subf %sub3A_71, %mul3A_69 : vector<16xf32>
      %mul3A_73 = arith.mulf %bitcast_convert_type3A_64, %sub3A_72 : vector<16xf32>
      %mul3A_74 = arith.constant 5.000000e-01 : f32
      %mul3A_75 = vector.broadcast %mul3A_74 : f32 to vector<16xf32>
      %mul3A_76 = arith.mulf %mul3A_75, %add3A_58 : vector<16xf32>
      %mul3A_77 = arith.mulf %mul3A_76, %mul3A_73 : vector<16xf32>
      %mul3A_78 = arith.mulf %mul3A_77, %mul3A_73 : vector<16xf32>
      %sub3A_79 = arith.constant 1.500000e+00 : f32
      %sub3A_80 = vector.broadcast %sub3A_79 : f32 to vector<16xf32>
      %sub3A_81 = arith.subf %sub3A_80, %mul3A_78 : vector<16xf32>
      %mul3A_82 = arith.mulf %mul3A_73, %sub3A_81 : vector<16xf32>
      %mul3A_83 = arith.constant 5.000000e-01 : f32
      %mul3A_84 = vector.broadcast %mul3A_83 : f32 to vector<16xf32>
      %mul3A_85 = arith.mulf %mul3A_84, %add3A_58 : vector<16xf32>
      %mul3A_86 = arith.mulf %mul3A_85, %mul3A_82 : vector<16xf32>
      %mul3A_87 = arith.mulf %mul3A_86, %mul3A_82 : vector<16xf32>
      %sub3A_88 = arith.constant 1.500000e+00 : f32
      %sub3A_89 = vector.broadcast %sub3A_88 : f32 to vector<16xf32>
      %sub3A_90 = arith.subf %sub3A_89, %mul3A_87 : vector<16xf32>
      %mul3A_91 = arith.mulf %mul3A_82, %sub3A_90 : vector<16xf32>
      %mul3A_92 = arith.constant 16 : i32
      %mul3A_93 = arith.muli %scan3A_51, %mul3A_92 : i32
      %swap3A = arith.index_cast %mul3A_93 : i32 to index
      %swap3A_94 = tpu.vector_load %arg8[%swap3A] {strides = array<i32>} : memref<656xf32, #tpu.memory_space<vmem>>, vector<16xf32>,
      %swap3A_95 = vector.shape_cast %swap3A_94 : vector<16xf32> to vector<16xf32>
      %swap3A_96 = vector.shape_cast %mul3A_91 : vector<16xf32> to vector<16xf32>
      tpu.vector_store %arg8[%swap3A], %swap3A_96 {strides = array<i32>} : memref<656xf32, #tpu.memory_space<vmem>>, vector<16xf32>,
    }
    %scan3A_40 = arith.constant 40 : i32
    %eq3A = arith.constant 0 : i32
    %eq3A_41 = arith.cmpi eq, %arg0, %eq3A : i32
    %convert_element_type3A = arith.extui %eq3A_41 : i1 to i32
    %cond3A = arith.constant 0 : i32
    %cond3A_42 = arith.cmpi ne, %convert_element_type3A, %cond3A : i32
    scf.if %cond3A_42 {
      %mul3A_51 = arith.constant 640 : i32
      %mul3A_52 = arith.muli %arg1, %mul3A_51 : i32
      "tpu.region"() ({
        %run_scoped3A = tpu.sem_alloc : memref<!tpu.dma_semaphore, #tpu.memory_space<semaphore_mem>>
        %dma_start3A = arith.constant 0 : i32
        %dma_start3A_53 = tpu.memref_slice %arg8[%dma_start3A] : memref<656xf32, #tpu.memory_space<vmem>> -> memref<640xf32, #tpu.memory_space<vmem>>
        %dma_start3A_54 = tpu.memref_slice %arg5[%mul3A_52] : memref<10240xf32, #tpu.memory_space<hbm>> -> memref<640xf32, #tpu.memory_space<hbm>>
        %dma_start3A_55 = tpu.memref_slice %arg5[%mul3A_52] : memref<10240xf32, #tpu.memory_space<hbm>> -> memref<640xf32, #tpu.memory_space<hbm>>
        %dma_start3A_56 = arith.constant 0 : i32
        %dma_start3A_57 = tpu.memref_slice %arg8[%dma_start3A_56] : memref<656xf32, #tpu.memory_space<vmem>> -> memref<640xf32, #tpu.memory_space<vmem>>
        tpu.enqueue_dma source(%dma_start3A_57 : memref<640xf32, #tpu.memory_space<vmem>>) target(%dma_start3A_55 : memref<640xf32, #tpu.memory_space<hbm>>) target_semaphore(%run_scoped3A : memref<!tpu.dma_semaphore, #tpu.memory_space<semaphore_mem>>)
        %dma_wait3A = arith.constant 0 : i32
        %dma_wait3A_58 = tpu.memref_slice %arg8[%dma_wait3A] : memref<656xf32, #tpu.memory_space<vmem>> -> memref<640xf32, #tpu.memory_space<vmem>>
        %dma_wait3A_59 = tpu.memref_slice %arg5[%mul3A_52] : memref<10240xf32, #tpu.memory_space<hbm>> -> memref<640xf32, #tpu.memory_space<hbm>>
        %dma_wait3A_60 = tpu.memref_slice %arg5[%mul3A_52] : memref<10240xf32, #tpu.memory_space<hbm>> -> memref<640xf32, #tpu.memory_space<hbm>>
        %dma_wait3A_61 = arith.constant 0 : i32
        %dma_wait3A_62 = tpu.memref_slice %arg8[%dma_wait3A_61] : memref<656xf32, #tpu.memory_space<vmem>> -> memref<640xf32, #tpu.memory_space<vmem>>
        tpu.wait_dma2 semaphore(%run_scoped3A : memref<!tpu.dma_semaphore, #tpu.memory_space<semaphore_mem>>) src(%dma_wait3A_62 : memref<640xf32, #tpu.memory_space<vmem>>) dst(%dma_wait3A_60 : memref<640xf32, #tpu.memory_space<hbm>>)
        tpu.yield
      }) : () -> ()
    } else {
    }
    %mul3A_43 = arith.constant 640 : i32
    %mul3A_44 = arith.muli %arg1, %mul3A_43 : i32
    %sub3A = arith.subi %min3A_25, %mul3A_44 : i32
    %scan3A_45 = arith.constant 0 : i32
    %scan3A_46 = arith.constant 0 : i32
    %scan3A_47 = arith.constant 320 : i32
    %scan3A_48 = arith.addi %scan3A_46, %scan3A_47 : i32
    %scan3A_49 = arith.constant 1 : i32
    scf.for %scan3A_51 = %scan3A_46 to %scan3A_48 step %scan3A_49  : i32 {
      %add3A_52 = arith.addi %sub3A, %scan3A_51 : i32
      %get3A = arith.index_cast %add3A_52 : i32 to index
      %get3A_53 = tpu.vector_load %arg8[%get3A] {strides = array<i32>} : memref<656xf32, #tpu.memory_space<vmem>>, vector<16xf32>,
      %get3A_54 = vector.shape_cast %get3A_53 : vector<16xf32> to vector<16xf32>
      %slice3A = vector.extract_strided_slice %get3A_54 {offsets = [0], sizes = [1], strides = [1]} : vector<16xf32> to vector<1xf32>
      %squeeze3A = vector.extract %slice3A[0] : f32 from vector<1xf32>
      %get3A_55 = arith.index_cast %scan3A_51 : i32 to index
      %get3A_56 = arith.constant 0 : index
      %get3A_57 = tpu.vector_load %arg9[%get3A_55, %get3A_56] {strides = array<i32>} : memref<320x128xf32, #tpu.memory_space<vmem>>, vector<1x16xf32>,
      %get3A_58 = vector.shape_cast %get3A_57 : vector<1x16xf32> to vector<16xf32>
      %mul3A_59 = vector.broadcast %squeeze3A : f32 to vector<16xf32>
      %mul3A_60 = arith.mulf %get3A_58, %mul3A_59 : vector<16xf32>
      %swap3A = arith.index_cast %scan3A_51 : i32 to index
      %swap3A_61 = arith.constant 0 : index
      %swap3A_62 = tpu.vector_load %arg9[%swap3A, %swap3A_61] {strides = array<i32>} : memref<320x128xf32, #tpu.memory_space<vmem>>, vector<1x16xf32>,
      %swap3A_63 = vector.shape_cast %swap3A_62 : vector<1x16xf32> to vector<16xf32>
      %swap3A_64 = vector.shape_cast %mul3A_60 : vector<16xf32> to vector<1x16xf32>
      tpu.vector_store %arg9[%swap3A, %swap3A_61], %swap3A_64 {strides = array<i32>} : memref<320x128xf32, #tpu.memory_space<vmem>>, vector<1x16xf32>,
      %get3A_65 = arith.index_cast %scan3A_51 : i32 to index
      %get3A_66 = arith.constant 16 : index
      %get3A_67 = tpu.vector_load %arg9[%get3A_65, %get3A_66] {strides = array<i32>} : memref<320x128xf32, #tpu.memory_space<vmem>>, vector<1x16xf32>,
      %get3A_68 = vector.shape_cast %get3A_67 : vector<1x16xf32> to vector<16xf32>
      %mul3A_69 = vector.broadcast %squeeze3A : f32 to vector<16xf32>
      %mul3A_70 = arith.mulf %get3A_68, %mul3A_69 : vector<16xf32>
      %swap3A_71 = arith.index_cast %scan3A_51 : i32 to index
      %swap3A_72 = arith.constant 16 : index
      %swap3A_73 = tpu.vector_load %arg9[%swap3A_71, %swap3A_72] {strides = array<i32>} : memref<320x128xf32, #tpu.memory_space<vmem>>, vector<1x16xf32>,
      %swap3A_74 = vector.shape_cast %swap3A_73 : vector<1x16xf32> to vector<16xf32>
      %swap3A_75 = vector.shape_cast %mul3A_70 : vector<16xf32> to vector<1x16xf32>
      tpu.vector_store %arg9[%swap3A_71, %swap3A_72], %swap3A_75 {strides = array<i32>} : memref<320x128xf32, #tpu.memory_space<vmem>>, vector<1x16xf32>,
      %get3A_76 = arith.index_cast %scan3A_51 : i32 to index
      %get3A_77 = arith.constant 32 : index
      %get3A_78 = tpu.vector_load %arg9[%get3A_76, %get3A_77] {strides = array<i32>} : memref<320x128xf32, #tpu.memory_space<vmem>>, vector<1x16xf32>,
      %get3A_79 = vector.shape_cast %get3A_78 : vector<1x16xf32> to vector<16xf32>
      %mul3A_80 = vector.broadcast %squeeze3A : f32 to vector<16xf32>
      %mul3A_81 = arith.mulf %get3A_79, %mul3A_80 : vector<16xf32>
      %swap3A_82 = arith.index_cast %scan3A_51 : i32 to index
      %swap3A_83 = arith.constant 32 : index
      %swap3A_84 = tpu.vector_load %arg9[%swap3A_82, %swap3A_83] {strides = array<i32>} : memref<320x128xf32, #tpu.memory_space<vmem>>, vector<1x16xf32>,
      %swap3A_85 = vector.shape_cast %swap3A_84 : vector<1x16xf32> to vector<16xf32>
      %swap3A_86 = vector.shape_cast %mul3A_81 : vector<16xf32> to vector<1x16xf32>
      tpu.vector_store %arg9[%swap3A_82, %swap3A_83], %swap3A_86 {strides = array<i32>} : memref<320x128xf32, #tpu.memory_space<vmem>>, vector<1x16xf32>,
      %get3A_87 = arith.index_cast %scan3A_51 : i32 to index
      %get3A_88 = arith.constant 48 : index
      %get3A_89 = tpu.vector_load %arg9[%get3A_87, %get3A_88] {strides = array<i32>} : memref<320x128xf32, #tpu.memory_space<vmem>>, vector<1x16xf32>,
      %get3A_90 = vector.shape_cast %get3A_89 : vector<1x16xf32> to vector<16xf32>
      %mul3A_91 = vector.broadcast %squeeze3A : f32 to vector<16xf32>
      %mul3A_92 = arith.mulf %get3A_90, %mul3A_91 : vector<16xf32>
      %swap3A_93 = arith.index_cast %scan3A_51 : i32 to index
      %swap3A_94 = arith.constant 48 : index
      %swap3A_95 = tpu.vector_load %arg9[%swap3A_93, %swap3A_94] {strides = array<i32>} : memref<320x128xf32, #tpu.memory_space<vmem>>, vector<1x16xf32>,
      %swap3A_96 = vector.shape_cast %swap3A_95 : vector<1x16xf32> to vector<16xf32>
      %swap3A_97 = vector.shape_cast %mul3A_92 : vector<16xf32> to vector<1x16xf32>
      tpu.vector_store %arg9[%swap3A_93, %swap3A_94], %swap3A_97 {strides = array<i32>} : memref<320x128xf32, #tpu.memory_space<vmem>>, vector<1x16xf32>,
      %get3A_98 = arith.index_cast %scan3A_51 : i32 to index
      %get3A_99 = arith.constant 64 : index
      %get3A_100 = tpu.vector_load %arg9[%get3A_98, %get3A_99] {strides = array<i32>} : memref<320x128xf32, #tpu.memory_space<vmem>>, vector<1x16xf32>,
      %get3A_101 = vector.shape_cast %get3A_100 : vector<1x16xf32> to vector<16xf32>
      %mul3A_102 = vector.broadcast %squeeze3A : f32 to vector<16xf32>
      %mul3A_103 = arith.mulf %get3A_101, %mul3A_102 : vector<16xf32>
      %swap3A_104 = arith.index_cast %scan3A_51 : i32 to index
      %swap3A_105 = arith.constant 64 : index
      %swap3A_106 = tpu.vector_load %arg9[%swap3A_104, %swap3A_105] {strides = array<i32>} : memref<320x128xf32, #tpu.memory_space<vmem>>, vector<1x16xf32>,
      %swap3A_107 = vector.shape_cast %swap3A_106 : vector<1x16xf32> to vector<16xf32>
      %swap3A_108 = vector.shape_cast %mul3A_103 : vector<16xf32> to vector<1x16xf32>
      tpu.vector_store %arg9[%swap3A_104, %swap3A_105], %swap3A_108 {strides = array<i32>} : memref<320x128xf32, #tpu.memory_space<vmem>>, vector<1x16xf32>,
      %get3A_109 = arith.index_cast %scan3A_51 : i32 to index
      %get3A_110 = arith.constant 80 : index
      %get3A_111 = tpu.vector_load %arg9[%get3A_109, %get3A_110] {strides = array<i32>} : memref<320x128xf32, #tpu.memory_space<vmem>>, vector<1x16xf32>,
      %get3A_112 = vector.shape_cast %get3A_111 : vector<1x16xf32> to vector<16xf32>
      %mul3A_113 = vector.broadcast %squeeze3A : f32 to vector<16xf32>
      %mul3A_114 = arith.mulf %get3A_112, %mul3A_113 : vector<16xf32>
      %swap3A_115 = arith.index_cast %scan3A_51 : i32 to index
      %swap3A_116 = arith.constant 80 : index
      %swap3A_117 = tpu.vector_load %arg9[%swap3A_115, %swap3A_116] {strides = array<i32>} : memref<320x128xf32, #tpu.memory_space<vmem>>, vector<1x16xf32>,
      %swap3A_118 = vector.shape_cast %swap3A_117 : vector<1x16xf32> to vector<16xf32>
      %swap3A_119 = vector.shape_cast %mul3A_114 : vector<16xf32> to vector<1x16xf32>
      tpu.vector_store %arg9[%swap3A_115, %swap3A_116], %swap3A_119 {strides = array<i32>} : memref<320x128xf32, #tpu.memory_space<vmem>>, vector<1x16xf32>,
      %get3A_120 = arith.index_cast %scan3A_51 : i32 to index
      %get3A_121 = arith.constant 96 : index
      %get3A_122 = tpu.vector_load %arg9[%get3A_120, %get3A_121] {strides = array<i32>} : memref<320x128xf32, #tpu.memory_space<vmem>>, vector<1x16xf32>,
      %get3A_123 = vector.shape_cast %get3A_122 : vector<1x16xf32> to vector<16xf32>
      %mul3A_124 = vector.broadcast %squeeze3A : f32 to vector<16xf32>
      %mul3A_125 = arith.mulf %get3A_123, %mul3A_124 : vector<16xf32>
      %swap3A_126 = arith.index_cast %scan3A_51 : i32 to index
      %swap3A_127 = arith.constant 96 : index
      %swap3A_128 = tpu.vector_load %arg9[%swap3A_126, %swap3A_127] {strides = array<i32>} : memref<320x128xf32, #tpu.memory_space<vmem>>, vector<1x16xf32>,
      %swap3A_129 = vector.shape_cast %swap3A_128 : vector<1x16xf32> to vector<16xf32>
      %swap3A_130 = vector.shape_cast %mul3A_125 : vector<16xf32> to vector<1x16xf32>
      tpu.vector_store %arg9[%swap3A_126, %swap3A_127], %swap3A_130 {strides = array<i32>} : memref<320x128xf32, #tpu.memory_space<vmem>>, vector<1x16xf32>,
      %get3A_131 = arith.index_cast %scan3A_51 : i32 to index
      %get3A_132 = arith.constant 112 : index
      %get3A_133 = tpu.vector_load %arg9[%get3A_131, %get3A_132] {strides = array<i32>} : memref<320x128xf32, #tpu.memory_space<vmem>>, vector<1x16xf32>,
      %get3A_134 = vector.shape_cast %get3A_133 : vector<1x16xf32> to vector<16xf32>
      %mul3A_135 = vector.broadcast %squeeze3A : f32 to vector<16xf32>
      %mul3A_136 = arith.mulf %get3A_134, %mul3A_135 : vector<16xf32>
      %swap3A_137 = arith.index_cast %scan3A_51 : i32 to index
      %swap3A_138 = arith.constant 112 : index
      %swap3A_139 = tpu.vector_load %arg9[%swap3A_137, %swap3A_138] {strides = array<i32>} : memref<320x128xf32, #tpu.memory_space<vmem>>, vector<1x16xf32>,
      %swap3A_140 = vector.shape_cast %swap3A_139 : vector<1x16xf32> to vector<16xf32>
      %swap3A_141 = vector.shape_cast %mul3A_136 : vector<16xf32> to vector<1x16xf32>
      tpu.vector_store %arg9[%swap3A_137, %swap3A_138], %swap3A_141 {strides = array<i32>} : memref<320x128xf32, #tpu.memory_space<vmem>>, vector<1x16xf32>,
    }
    %scan3A_50 = arith.constant 320 : i32
    "tpu.region"() ({
      %run_scoped3A = tpu.sem_alloc : memref<!tpu.dma_semaphore, #tpu.memory_space<semaphore_mem>>
      %dma_start3A = arith.constant 0 : i32
      %dma_start3A_51 = tpu.memref_slice %arg4[%min3A_25, %dma_start3A] : memref<10000x128xf32, #tpu.memory_space<hbm>> -> memref<320x128xf32, #tpu.memory_space<hbm>>
      %dma_start3A_52 = arith.constant 0 : i32
      %dma_start3A_53 = tpu.memref_slice %arg4[%min3A_25, %dma_start3A_52] : memref<10000x128xf32, #tpu.memory_space<hbm>> -> memref<320x128xf32, #tpu.memory_space<hbm>>
      tpu.enqueue_dma source(%arg9 : memref<320x128xf32, #tpu.memory_space<vmem>>) target(%dma_start3A_53 : memref<320x128xf32, #tpu.memory_space<hbm>>) target_semaphore(%run_scoped3A : memref<!tpu.dma_semaphore, #tpu.memory_space<semaphore_mem>>)
      %dma_wait3A = arith.constant 0 : i32
      %dma_wait3A_54 = tpu.memref_slice %arg4[%min3A_25, %dma_wait3A] : memref<10000x128xf32, #tpu.memory_space<hbm>> -> memref<320x128xf32, #tpu.memory_space<hbm>>
      %dma_wait3A_55 = arith.constant 0 : i32
      %dma_wait3A_56 = tpu.memref_slice %arg4[%min3A_25, %dma_wait3A_55] : memref<10000x128xf32, #tpu.memory_space<hbm>> -> memref<320x128xf32, #tpu.memory_space<hbm>>
      tpu.wait_dma2 semaphore(%run_scoped3A : memref<!tpu.dma_semaphore, #tpu.memory_space<semaphore_mem>>) src(%arg9 : memref<320x128xf32, #tpu.memory_space<vmem>>) dst(%dma_wait3A_56 : memref<320x128xf32, #tpu.memory_space<hbm>>)
      tpu.yield
    }) : () -> ()
    return
  }
}

#map = affine_map<(d0, d1) -> (0, 0)>
#map1 = affine_map<(d0, d1) -> (0, 0, 0)>
module attributes {stable_mosaic.version = 14 : i64} {
  func.func @msg_kernel(%arg0: i32, %arg1: i32, %arg2: memref<10000x128xf32, #tpu.memory_space<hbm>>, %arg3: memref<32x79x128xi32, #tpu.memory_space<hbm>>, %arg4: memref<32x79x128xi32, #tpu.memory_space<hbm>>, %arg5: memref<2x10240x128xf32, #tpu.memory_space<hbm>>, %arg6: memref<40x128xi32, #tpu.memory_space<vmem>>, %arg7: memref<79x128xi32, #tpu.memory_space<vmem>>, %arg8: memref<2x128x128xf32, #tpu.memory_space<vmem>>, %arg9: memref<10240x128xf32, #tpu.memory_space<vmem_shared>>, %arg10: memref<!tpu.dma_semaphore, #tpu.memory_space<semaphore_mem>>, %arg11: memref<!tpu.dma_semaphore, #tpu.memory_space<semaphore_mem>>, %arg12: memref<!tpu.dma_semaphore, #tpu.memory_space<semaphore_mem>>, %arg13: memref<!tpu.dma_semaphore, #tpu.memory_space<semaphore_mem>>) attributes {dimension_semantics = [#tpu.dimension_semantics<core_parallel>, #tpu.dimension_semantics<subcore_parallel>], iteration_bounds = array<i64: 2, 16>, scalar_prefetch = 0 : i64, scratch_operands = 8 : i64, tpu.core_type = #tpu.core_type<sc_vector_subcore>, window_params = [{transform_indices = #map}, {transform_indices = #map1}, {transform_indices = #map1}, {transform_indices = #map1}]} {
    %mul3A = arith.constant 16 : i32
    %mul3A_0 = arith.muli %arg0, %mul3A : i32
    %add3A = arith.addi %mul3A_0, %arg1 : i32
    %mul3A_1 = arith.constant 640 : i32
    %mul3A_2 = arith.muli %arg1, %mul3A_1 : i32
    "tpu.region"() ({
      %run_scoped3A = tpu.sem_alloc : memref<!tpu.dma_semaphore, #tpu.memory_space<semaphore_mem>>
      %dma_start3A_57 = arith.constant 0 : i32
      %dma_start3A_58 = arith.constant 0 : i32
      %dma_start3A_59 = tpu.memref_slice %arg3[%add3A, %dma_start3A_57, %dma_start3A_58] : memref<32x79x128xi32, #tpu.memory_space<hbm>> -> memref<1x40x128xi32, #tpu.memory_space<hbm>>
      %dma_start3A_60 = tpu.memref_squeeze %dma_start3A_59 : memref<1x40x128xi32, #tpu.memory_space<hbm>> -> memref<40x128xi32, #tpu.memory_space<hbm>>
      %dma_start3A_61 = arith.constant 0 : i32
      %dma_start3A_62 = arith.constant 0 : i32
      %dma_start3A_63 = tpu.memref_slice %arg3[%add3A, %dma_start3A_61, %dma_start3A_62] : memref<32x79x128xi32, #tpu.memory_space<hbm>> -> memref<1x40x128xi32, #tpu.memory_space<hbm>>
      %dma_start3A_64 = tpu.memref_squeeze %dma_start3A_63 : memref<1x40x128xi32, #tpu.memory_space<hbm>> -> memref<40x128xi32, #tpu.memory_space<hbm>>
      tpu.enqueue_dma source(%dma_start3A_64 : memref<40x128xi32, #tpu.memory_space<hbm>>) target(%arg6 : memref<40x128xi32, #tpu.memory_space<vmem>>) target_semaphore(%run_scoped3A : memref<!tpu.dma_semaphore, #tpu.memory_space<semaphore_mem>>)
      %dma_wait3A_65 = arith.constant 0 : i32
      %dma_wait3A_66 = arith.constant 0 : i32
      %dma_wait3A_67 = tpu.memref_slice %arg3[%add3A, %dma_wait3A_65, %dma_wait3A_66] : memref<32x79x128xi32, #tpu.memory_space<hbm>> -> memref<1x40x128xi32, #tpu.memory_space<hbm>>
      %dma_wait3A_68 = tpu.memref_squeeze %dma_wait3A_67 : memref<1x40x128xi32, #tpu.memory_space<hbm>> -> memref<40x128xi32, #tpu.memory_space<hbm>>
      %dma_wait3A_69 = arith.constant 0 : i32
      %dma_wait3A_70 = arith.constant 0 : i32
      %dma_wait3A_71 = tpu.memref_slice %arg3[%add3A, %dma_wait3A_69, %dma_wait3A_70] : memref<32x79x128xi32, #tpu.memory_space<hbm>> -> memref<1x40x128xi32, #tpu.memory_space<hbm>>
      %dma_wait3A_72 = tpu.memref_squeeze %dma_wait3A_71 : memref<1x40x128xi32, #tpu.memory_space<hbm>> -> memref<40x128xi32, #tpu.memory_space<hbm>>
      tpu.wait_dma2 semaphore(%run_scoped3A : memref<!tpu.dma_semaphore, #tpu.memory_space<semaphore_mem>>) src(%dma_wait3A_72 : memref<40x128xi32, #tpu.memory_space<hbm>>) dst(%arg6 : memref<40x128xi32, #tpu.memory_space<vmem>>)
      tpu.yield
    }) : () -> ()
    "tpu.region"() ({
      %run_scoped3A = tpu.sem_alloc : memref<!tpu.dma_semaphore, #tpu.memory_space<semaphore_mem>>
      %dma_start3A_57 = arith.constant 0 : i32
      %dma_start3A_58 = arith.constant 0 : i32
      %dma_start3A_59 = tpu.memref_slice %arg4[%add3A, %dma_start3A_57, %dma_start3A_58] : memref<32x79x128xi32, #tpu.memory_space<hbm>> -> memref<1x79x128xi32, #tpu.memory_space<hbm>>
      %dma_start3A_60 = tpu.memref_squeeze %dma_start3A_59 : memref<1x79x128xi32, #tpu.memory_space<hbm>> -> memref<79x128xi32, #tpu.memory_space<hbm>>
      %dma_start3A_61 = arith.constant 0 : i32
      %dma_start3A_62 = arith.constant 0 : i32
      %dma_start3A_63 = tpu.memref_slice %arg4[%add3A, %dma_start3A_61, %dma_start3A_62] : memref<32x79x128xi32, #tpu.memory_space<hbm>> -> memref<1x79x128xi32, #tpu.memory_space<hbm>>
      %dma_start3A_64 = tpu.memref_squeeze %dma_start3A_63 : memref<1x79x128xi32, #tpu.memory_space<hbm>> -> memref<79x128xi32, #tpu.memory_space<hbm>>
      tpu.enqueue_dma source(%dma_start3A_64 : memref<79x128xi32, #tpu.memory_space<hbm>>) target(%arg7 : memref<79x128xi32, #tpu.memory_space<vmem>>) target_semaphore(%run_scoped3A : memref<!tpu.dma_semaphore, #tpu.memory_space<semaphore_mem>>)
      %dma_wait3A_65 = arith.constant 0 : i32
      %dma_wait3A_66 = arith.constant 0 : i32
      %dma_wait3A_67 = tpu.memref_slice %arg4[%add3A, %dma_wait3A_65, %dma_wait3A_66] : memref<32x79x128xi32, #tpu.memory_space<hbm>> -> memref<1x79x128xi32, #tpu.memory_space<hbm>>
      %dma_wait3A_68 = tpu.memref_squeeze %dma_wait3A_67 : memref<1x79x128xi32, #tpu.memory_space<hbm>> -> memref<79x128xi32, #tpu.memory_space<hbm>>
      %dma_wait3A_69 = arith.constant 0 : i32
      %dma_wait3A_70 = arith.constant 0 : i32
      %dma_wait3A_71 = tpu.memref_slice %arg4[%add3A, %dma_wait3A_69, %dma_wait3A_70] : memref<32x79x128xi32, #tpu.memory_space<hbm>> -> memref<1x79x128xi32, #tpu.memory_space<hbm>>
      %dma_wait3A_72 = tpu.memref_squeeze %dma_wait3A_71 : memref<1x79x128xi32, #tpu.memory_space<hbm>> -> memref<79x128xi32, #tpu.memory_space<hbm>>
      tpu.wait_dma2 semaphore(%run_scoped3A : memref<!tpu.dma_semaphore, #tpu.memory_space<semaphore_mem>>) src(%dma_wait3A_72 : memref<79x128xi32, #tpu.memory_space<hbm>>) dst(%arg7 : memref<79x128xi32, #tpu.memory_space<vmem>>)
      tpu.yield
    }) : () -> ()
    %dma_start3A = arith.constant 0 : i32
    %dma_start3A_3 = arith.constant 1 : i32
    %dma_start3A_4 = arith.constant 0 : i32
    %dma_start3A_5 = arith.constant 0 : i32
    %dma_start3A_6 = tpu.memref_slice %arg8[%dma_start3A_3, %dma_start3A_4, %dma_start3A_5] : memref<2x128x128xf32, #tpu.memory_space<vmem>> -> memref<1x64x128xf32, #tpu.memory_space<vmem>>
    %dma_start3A_7 = tpu.memref_squeeze %dma_start3A_6 : memref<1x64x128xf32, #tpu.memory_space<vmem>> -> memref<64x128xf32, #tpu.memory_space<vmem>>
    %dma_start3A_8 = arith.constant 0 : i32
    %dma_start3A_9 = tpu.memref_slice %arg6[%dma_start3A, %dma_start3A_8] : memref<40x128xi32, #tpu.memory_space<vmem>> -> memref<1x64xi32, #tpu.memory_space<vmem>>
    %dma_start3A_10 = tpu.memref_squeeze %dma_start3A_9 : memref<1x64xi32, #tpu.memory_space<vmem>> -> memref<64xi32, #tpu.memory_space<vmem>>
    %dma_start3A_11 = arith.constant 0 : i32
    %dma_start3A_12 = arith.constant 0 : i32
    %dma_start3A_13 = tpu.memref_slice %arg2[%dma_start3A_11, %dma_start3A_12] : memref<10000x128xf32, #tpu.memory_space<hbm>> -> memref<10000x128xf32, #tpu.memory_space<hbm>>
    tpu.enqueue_indirect_dma source(%dma_start3A_13 : memref<10000x128xf32, #tpu.memory_space<hbm>>) target(%dma_start3A_7 : memref<64x128xf32, #tpu.memory_space<vmem>>) offsets(%dma_start3A_10 : memref<64xi32, #tpu.memory_space<vmem>>) semaphore(%arg11 : memref<!tpu.dma_semaphore, #tpu.memory_space<semaphore_mem>>)
    %dma_start3A_14 = arith.constant 0 : i32
    %dma_start3A_15 = arith.constant 1 : i32
    %dma_start3A_16 = arith.constant 64 : i32
    %dma_start3A_17 = arith.constant 0 : i32
    %dma_start3A_18 = tpu.memref_slice %arg8[%dma_start3A_15, %dma_start3A_16, %dma_start3A_17] : memref<2x128x128xf32, #tpu.memory_space<vmem>> -> memref<1x64x128xf32, #tpu.memory_space<vmem>>
    %dma_start3A_19 = tpu.memref_squeeze %dma_start3A_18 : memref<1x64x128xf32, #tpu.memory_space<vmem>> -> memref<64x128xf32, #tpu.memory_space<vmem>>
    %dma_start3A_20 = arith.constant 64 : i32
    %dma_start3A_21 = tpu.memref_slice %arg6[%dma_start3A_14, %dma_start3A_20] : memref<40x128xi32, #tpu.memory_space<vmem>> -> memref<1x64xi32, #tpu.memory_space<vmem>>
    %dma_start3A_22 = tpu.memref_squeeze %dma_start3A_21 : memref<1x64xi32, #tpu.memory_space<vmem>> -> memref<64xi32, #tpu.memory_space<vmem>>
    %dma_start3A_23 = arith.constant 0 : i32
    %dma_start3A_24 = arith.constant 0 : i32
    %dma_start3A_25 = tpu.memref_slice %arg2[%dma_start3A_23, %dma_start3A_24] : memref<10000x128xf32, #tpu.memory_space<hbm>> -> memref<10000x128xf32, #tpu.memory_space<hbm>>
    tpu.enqueue_indirect_dma source(%dma_start3A_25 : memref<10000x128xf32, #tpu.memory_space<hbm>>) target(%dma_start3A_19 : memref<64x128xf32, #tpu.memory_space<vmem>>) offsets(%dma_start3A_22 : memref<64xi32, #tpu.memory_space<vmem>>) semaphore(%arg11 : memref<!tpu.dma_semaphore, #tpu.memory_space<semaphore_mem>>)
    %broadcast_in_dim3A = arith.constant 0.000000e+00 : f32
    %broadcast_in_dim3A_26 = vector.broadcast %broadcast_in_dim3A : f32 to vector<16xf32>
    %scan3A = arith.constant 0 : i32
    %scan3A_27 = arith.constant 0 : i32
    %scan3A_28 = arith.constant 0 : i32
    %scan3A_29 = arith.constant 320 : i32
    %scan3A_30 = arith.addi %scan3A_28, %scan3A_29 : i32
    %scan3A_31 = arith.constant 1 : i32
    scf.for %scan3A_57 = %scan3A_28 to %scan3A_30 step %scan3A_31  : i32 {
      %jit3A = arith.constant 8 : i32
      %div3A = arith.divsi %scan3A_57, %jit3A : i32
      %sign3A = arith.constant 0 : i32
      %sign3A_58 = arith.cmpi sgt, %scan3A_57, %sign3A : i32
      %sign3A_59 = arith.extui %sign3A_58 : i1 to i32
      %sign3A_60 = arith.constant 0 : i32
      %sign3A_61 = arith.cmpi slt, %scan3A_57, %sign3A_60 : i32
      %sign3A_62 = arith.extui %sign3A_61 : i1 to i32
      %sign3A_63 = arith.subi %sign3A_59, %sign3A_62 : i32
      %sign3A_64 = arith.constant 0 : i32
      %sign3A_65 = arith.cmpi sgt, %jit3A, %sign3A_64 : i32
      %sign3A_66 = arith.extui %sign3A_65 : i1 to i32
      %sign3A_67 = arith.constant 0 : i32
      %sign3A_68 = arith.cmpi slt, %jit3A, %sign3A_67 : i32
      %sign3A_69 = arith.extui %sign3A_68 : i1 to i32
      %sign3A_70 = arith.subi %sign3A_66, %sign3A_69 : i32
      %ne3A = arith.cmpi ne, %sign3A_63, %sign3A_70 : i32
      %rem3A = arith.remsi %scan3A_57, %jit3A : i32
      %ne3A_71 = arith.constant 0 : i32
      %ne3A_72 = arith.cmpi ne, %rem3A, %ne3A_71 : i32
      %and3A = arith.andi %ne3A, %ne3A_72 : i1
      %sub3A = arith.constant 1 : i32
      %sub3A_73 = arith.subi %div3A, %sub3A : i32
      %select_n3A = arith.select %and3A, %sub3A_73, %div3A : i32
      %jit3A_74 = arith.constant 8 : i32
      %eq3A = arith.constant 0 : i32
      %eq3A_75 = arith.cmpi eq, %jit3A_74, %eq3A : i32
      %jit3A_76 = arith.constant 1 : i32
      %select_n3A_77 = arith.select %eq3A_75, %jit3A_76, %jit3A_74 : i32
      %rem3A_78 = arith.remsi %scan3A_57, %select_n3A_77 : i32
      %ne3A_79 = arith.constant 0 : i32
      %ne3A_80 = arith.cmpi ne, %rem3A_78, %ne3A_79 : i32
      %lt3A = arith.constant 0 : i32
      %lt3A_81 = arith.cmpi slt, %rem3A_78, %lt3A : i32
      %lt3A_82 = arith.constant 0 : i32
      %lt3A_83 = arith.cmpi slt, %select_n3A_77, %lt3A_82 : i32
      %ne3A_84 = arith.xori %lt3A_81, %lt3A_83 : i1
      %and3A_85 = arith.andi %ne3A_84, %ne3A_80 : i1
      %add3A_86 = arith.addi %rem3A_78, %select_n3A_77 : i32
      %select_n3A_87 = arith.select %and3A_85, %add3A_86, %rem3A_78 : i32
      %mul3A_88 = arith.constant 16 : i32
      %mul3A_89 = arith.muli %select_n3A_87, %mul3A_88 : i32
      %swap3A = arith.constant 0 : i32
      %swap3A_90 = arith.constant 0 : i32
      %swap3A_91 = tpu.memref_slice %arg8[%scan3A_27, %swap3A, %swap3A_90] : memref<2x128x128xf32, #tpu.memory_space<vmem>> -> memref<1x128x128xf32, #tpu.memory_space<vmem>>
      %swap3A_92 = tpu.memref_squeeze %swap3A_91 : memref<1x128x128xf32, #tpu.memory_space<vmem>> -> memref<128x128xf32, #tpu.memory_space<vmem>>
      %swap3A_93 = arith.index_cast %select_n3A : i32 to index
      %swap3A_94 = arith.index_cast %mul3A_89 : i32 to index
      %swap3A_95 = tpu.vector_load %swap3A_92[%swap3A_93, %swap3A_94] {strides = array<i32>} : memref<128x128xf32, #tpu.memory_space<vmem>>, vector<1x16xf32>,
      %swap3A_96 = vector.shape_cast %swap3A_95 : vector<1x16xf32> to vector<16xf32>
      %swap3A_97 = vector.shape_cast %broadcast_in_dim3A_26 : vector<16xf32> to vector<1x16xf32>
      tpu.vector_store %swap3A_92[%swap3A_93, %swap3A_94], %swap3A_97 {strides = array<i32>} : memref<128x128xf32, #tpu.memory_space<vmem>>, vector<1x16xf32>,
    }
    %scan3A_32 = arith.constant 320 : i32
    %scan3A_33 = arith.constant 0 : i32
    %scan3A_34 = arith.constant 0 : i32
    %scan3A_35 = arith.constant 16 : i32
    %scan3A_36 = arith.addi %scan3A_34, %scan3A_35 : i32
    %scan3A_37 = arith.constant 1 : i32
    scf.for %scan3A_57 = %scan3A_34 to %scan3A_36 step %scan3A_37  : i32 {
      %mul3A_58 = arith.constant 40 : i32
      %mul3A_59 = arith.muli %scan3A_57, %mul3A_58 : i32
      %add3A_60 = arith.addi %mul3A_2, %mul3A_59 : i32
      %run_scoped3A = arith.constant 0 : i32
      "tpu.region"() ({
        %run_scoped3A_61 = tpu.sem_alloc : memref<!tpu.dma_semaphore, #tpu.memory_space<semaphore_mem>>
        %dma_start3A_62 = arith.constant 0 : i32
        %dma_start3A_63 = arith.constant 0 : i32
        %dma_start3A_64 = tpu.memref_slice %arg8[%run_scoped3A, %dma_start3A_62, %dma_start3A_63] : memref<2x128x128xf32, #tpu.memory_space<vmem>> -> memref<1x40x128xf32, #tpu.memory_space<vmem>>
        %dma_start3A_65 = tpu.memref_squeeze %dma_start3A_64 : memref<1x40x128xf32, #tpu.memory_space<vmem>> -> memref<40x128xf32, #tpu.memory_space<vmem>>
        %dma_start3A_66 = arith.constant 0 : i32
        %dma_start3A_67 = tpu.memref_slice %arg9[%add3A_60, %dma_start3A_66] : memref<10240x128xf32, #tpu.memory_space<vmem_shared>> -> memref<40x128xf32, #tpu.memory_space<vmem_shared>>
        %dma_start3A_68 = arith.constant 0 : i32
        %dma_start3A_69 = tpu.memref_slice %arg9[%add3A_60, %dma_start3A_68] : memref<10240x128xf32, #tpu.memory_space<vmem_shared>> -> memref<40x128xf32, #tpu.memory_space<vmem_shared>>
        %dma_start3A_70 = arith.constant 0 : i32
        %dma_start3A_71 = arith.constant 0 : i32
        %dma_start3A_72 = tpu.memref_slice %arg8[%run_scoped3A, %dma_start3A_70, %dma_start3A_71] : memref<2x128x128xf32, #tpu.memory_space<vmem>> -> memref<1x40x128xf32, #tpu.memory_space<vmem>>
        %dma_start3A_73 = tpu.memref_squeeze %dma_start3A_72 : memref<1x40x128xf32, #tpu.memory_space<vmem>> -> memref<40x128xf32, #tpu.memory_space<vmem>>
        tpu.enqueue_dma source(%dma_start3A_73 : memref<40x128xf32, #tpu.memory_space<vmem>>) target(%dma_start3A_69 : memref<40x128xf32, #tpu.memory_space<vmem_shared>>) target_semaphore(%run_scoped3A_61 : memref<!tpu.dma_semaphore, #tpu.memory_space<semaphore_mem>>)
        %dma_wait3A_74 = arith.constant 0 : i32
        %dma_wait3A_75 = arith.constant 0 : i32
        %dma_wait3A_76 = tpu.memref_slice %arg8[%run_scoped3A, %dma_wait3A_74, %dma_wait3A_75] : memref<2x128x128xf32, #tpu.memory_space<vmem>> -> memref<1x40x128xf32, #tpu.memory_space<vmem>>
        %dma_wait3A_77 = tpu.memref_squeeze %dma_wait3A_76 : memref<1x40x128xf32, #tpu.memory_space<vmem>> -> memref<40x128xf32, #tpu.memory_space<vmem>>
        %dma_wait3A_78 = arith.constant 0 : i32
        %dma_wait3A_79 = tpu.memref_slice %arg9[%add3A_60, %dma_wait3A_78] : memref<10240x128xf32, #tpu.memory_space<vmem_shared>> -> memref<40x128xf32, #tpu.memory_space<vmem_shared>>
        %dma_wait3A_80 = arith.constant 0 : i32
        %dma_wait3A_81 = tpu.memref_slice %arg9[%add3A_60, %dma_wait3A_80] : memref<10240x128xf32, #tpu.memory_space<vmem_shared>> -> memref<40x128xf32, #tpu.memory_space<vmem_shared>>
        %dma_wait3A_82 = arith.constant 0 : i32
        %dma_wait3A_83 = arith.constant 0 : i32
        %dma_wait3A_84 = tpu.memref_slice %arg8[%run_scoped3A, %dma_wait3A_82, %dma_wait3A_83] : memref<2x128x128xf32, #tpu.memory_space<vmem>> -> memref<1x40x128xf32, #tpu.memory_space<vmem>>
        %dma_wait3A_85 = tpu.memref_squeeze %dma_wait3A_84 : memref<1x40x128xf32, #tpu.memory_space<vmem>> -> memref<40x128xf32, #tpu.memory_space<vmem>>
        tpu.wait_dma2 semaphore(%run_scoped3A_61 : memref<!tpu.dma_semaphore, #tpu.memory_space<semaphore_mem>>) src(%dma_wait3A_85 : memref<40x128xf32, #tpu.memory_space<vmem>>) dst(%dma_wait3A_81 : memref<40x128xf32, #tpu.memory_space<vmem_shared>>)
        tpu.yield
      }) : () -> ()
    }
    %scan3A_38 = arith.constant 16 : i32
    %barrier3A = arith.constant 0 : index
    tpu.barrier barrier_id(%barrier3A)
    %scan3A_39 = arith.constant 0 : i32
    %scan3A_40 = arith.constant 0 : i32
    %scan3A_41 = arith.constant 40 : i32
    %scan3A_42 = arith.addi %scan3A_40, %scan3A_41 : i32
    %scan3A_43 = arith.constant 1 : i32
    scf.for %scan3A_57 = %scan3A_40 to %scan3A_42 step %scan3A_43  : i32 {
      %mul3A_58 = arith.constant 2 : i32
      %mul3A_59 = arith.muli %mul3A_58, %scan3A_57 : i32
      %ge3A = arith.constant 1 : i32
      %ge3A_60 = arith.cmpi sge, %mul3A_59, %ge3A : i32
      %convert_element_type3A = arith.extui %ge3A_60 : i1 to i32
      %cond3A = arith.constant 0 : i32
      %cond3A_61 = arith.cmpi ne, %convert_element_type3A, %cond3A : i32
      scf.if %cond3A_61 {
        %dma_wait3A_126 = arith.constant 0 : i32
        %dma_wait3A_127 = arith.constant 0 : i32
        %dma_wait3A_128 = arith.constant 0 : i32
        %dma_wait3A_129 = arith.constant 0 : i32
        %dma_wait3A_130 = tpu.memref_slice %arg8[%dma_wait3A_126, %dma_wait3A_128, %dma_wait3A_129] : memref<2x128x128xf32, #tpu.memory_space<vmem>> -> memref<1x128x128xf32, #tpu.memory_space<vmem>>
        %dma_wait3A_131 = tpu.memref_squeeze %dma_wait3A_130 : memref<1x128x128xf32, #tpu.memory_space<vmem>> -> memref<128x128xf32, #tpu.memory_space<vmem>>
        %dma_wait3A_132 = arith.constant 0 : i32
        %dma_wait3A_133 = tpu.memref_slice %arg7[%dma_wait3A_127, %dma_wait3A_132] : memref<79x128xi32, #tpu.memory_space<vmem>> -> memref<1x128xi32, #tpu.memory_space<vmem>>
        %dma_wait3A_134 = tpu.memref_squeeze %dma_wait3A_133 : memref<1x128xi32, #tpu.memory_space<vmem>> -> memref<128xi32, #tpu.memory_space<vmem>>
        %dma_wait3A_135 = arith.constant 0 : i32
        %dma_wait3A_136 = arith.constant 0 : i32
        %dma_wait3A_137 = tpu.memref_slice %arg9[%dma_wait3A_135, %dma_wait3A_136] : memref<10240x128xf32, #tpu.memory_space<vmem_shared>> -> memref<10240x128xf32, #tpu.memory_space<vmem_shared>>
        tpu.wait_indirect_dma semaphore(%arg12 : memref<!tpu.dma_semaphore, #tpu.memory_space<semaphore_mem>>) src(%dma_wait3A_131 : memref<128x128xf32, #tpu.memory_space<vmem>>) dst(%dma_wait3A_137 : memref<10240x128xf32, #tpu.memory_space<vmem_shared>>)
      } else {
      }
      %add3A_62 = arith.constant 1 : i32
      %add3A_63 = arith.addi %mul3A_59, %add3A_62 : i32
      %lt3A = arith.constant 79 : i32
      %lt3A_64 = arith.cmpi slt, %add3A_63, %lt3A : i32
      %add3A_65 = arith.constant 1 : i32
      %add3A_66 = arith.addi %mul3A_59, %add3A_65 : i32
      %ne3A = arith.constant 40 : i32
      %ne3A_67 = arith.cmpi ne, %add3A_66, %ne3A : i32
      %and3A = arith.andi %lt3A_64, %ne3A_67 : i1
      %convert_element_type3A_68 = arith.extui %and3A : i1 to i32
      %cond3A_69 = arith.constant 0 : i32
      %cond3A_70 = arith.cmpi ne, %convert_element_type3A_68, %cond3A_69 : i32
      scf.if %cond3A_70 {
        %add3A_126 = arith.constant 1 : i32
        %add3A_127 = arith.addi %mul3A_59, %add3A_126 : i32
        %jit3A = arith.constant 40 : i32
        %eq3A_128 = arith.constant 0 : i32
        %eq3A_129 = arith.cmpi eq, %jit3A, %eq3A_128 : i32
        %jit3A_130 = arith.constant 1 : i32
        %select_n3A = arith.select %eq3A_129, %jit3A_130, %jit3A : i32
        %rem3A = arith.remsi %add3A_127, %select_n3A : i32
        %ne3A_131 = arith.constant 0 : i32
        %ne3A_132 = arith.cmpi ne, %rem3A, %ne3A_131 : i32
        %lt3A_133 = arith.constant 0 : i32
        %lt3A_134 = arith.cmpi slt, %rem3A, %lt3A_133 : i32
        %lt3A_135 = arith.constant 0 : i32
        %lt3A_136 = arith.cmpi slt, %select_n3A, %lt3A_135 : i32
        %ne3A_137 = arith.xori %lt3A_134, %lt3A_136 : i1
        %and3A_138 = arith.andi %ne3A_137, %ne3A_132 : i1
        %add3A_139 = arith.addi %rem3A, %select_n3A : i32
        %select_n3A_140 = arith.select %and3A_138, %add3A_139, %rem3A : i32
        %dma_start3A_141 = arith.constant 0 : i32
        %dma_start3A_142 = arith.constant 0 : i32
        %dma_start3A_143 = arith.constant 0 : i32
        %dma_start3A_144 = tpu.memref_slice %arg8[%dma_start3A_141, %dma_start3A_142, %dma_start3A_143] : memref<2x128x128xf32, #tpu.memory_space<vmem>> -> memref<1x64x128xf32, #tpu.memory_space<vmem>>
        %dma_start3A_145 = tpu.memref_squeeze %dma_start3A_144 : memref<1x64x128xf32, #tpu.memory_space<vmem>> -> memref<64x128xf32, #tpu.memory_space<vmem>>
        %dma_start3A_146 = arith.constant 0 : i32
        %dma_start3A_147 = tpu.memref_slice %arg6[%select_n3A_140, %dma_start3A_146] : memref<40x128xi32, #tpu.memory_space<vmem>> -> memref<1x64xi32, #tpu.memory_space<vmem>>
        %dma_start3A_148 = tpu.memref_squeeze %dma_start3A_147 : memref<1x64xi32, #tpu.memory_space<vmem>> -> memref<64xi32, #tpu.memory_space<vmem>>
        %dma_start3A_149 = arith.constant 0 : i32
        %dma_start3A_150 = arith.constant 0 : i32
        %dma_start3A_151 = tpu.memref_slice %arg2[%dma_start3A_149, %dma_start3A_150] : memref<10000x128xf32, #tpu.memory_space<hbm>> -> memref<10000x128xf32, #tpu.memory_space<hbm>>
        tpu.enqueue_indirect_dma source(%dma_start3A_151 : memref<10000x128xf32, #tpu.memory_space<hbm>>) target(%dma_start3A_145 : memref<64x128xf32, #tpu.memory_space<vmem>>) offsets(%dma_start3A_148 : memref<64xi32, #tpu.memory_space<vmem>>) semaphore(%arg10 : memref<!tpu.dma_semaphore, #tpu.memory_space<semaphore_mem>>)
        %dma_start3A_152 = arith.constant 0 : i32
        %dma_start3A_153 = arith.constant 64 : i32
        %dma_start3A_154 = arith.constant 0 : i32
        %dma_start3A_155 = tpu.memref_slice %arg8[%dma_start3A_152, %dma_start3A_153, %dma_start3A_154] : memref<2x128x128xf32, #tpu.memory_space<vmem>> -> memref<1x64x128xf32, #tpu.memory_space<vmem>>
        %dma_start3A_156 = tpu.memref_squeeze %dma_start3A_155 : memref<1x64x128xf32, #tpu.memory_space<vmem>> -> memref<64x128xf32, #tpu.memory_space<vmem>>
        %dma_start3A_157 = arith.constant 64 : i32
        %dma_start3A_158 = tpu.memref_slice %arg6[%select_n3A_140, %dma_start3A_157] : memref<40x128xi32, #tpu.memory_space<vmem>> -> memref<1x64xi32, #tpu.memory_space<vmem>>
        %dma_start3A_159 = tpu.memref_squeeze %dma_start3A_158 : memref<1x64xi32, #tpu.memory_space<vmem>> -> memref<64xi32, #tpu.memory_space<vmem>>
        %dma_start3A_160 = arith.constant 0 : i32
        %dma_start3A_161 = arith.constant 0 : i32
        %dma_start3A_162 = tpu.memref_slice %arg2[%dma_start3A_160, %dma_start3A_161] : memref<10000x128xf32, #tpu.memory_space<hbm>> -> memref<10000x128xf32, #tpu.memory_space<hbm>>
        tpu.enqueue_indirect_dma source(%dma_start3A_162 : memref<10000x128xf32, #tpu.memory_space<hbm>>) target(%dma_start3A_156 : memref<64x128xf32, #tpu.memory_space<vmem>>) offsets(%dma_start3A_159 : memref<64xi32, #tpu.memory_space<vmem>>) semaphore(%arg10 : memref<!tpu.dma_semaphore, #tpu.memory_space<semaphore_mem>>)
      } else {
      }
      %dma_wait3A_71 = arith.constant 0 : i32
      %dma_wait3A_72 = arith.constant 1 : i32
      %dma_wait3A_73 = arith.constant 0 : i32
      %dma_wait3A_74 = arith.constant 0 : i32
      %dma_wait3A_75 = tpu.memref_slice %arg8[%dma_wait3A_72, %dma_wait3A_73, %dma_wait3A_74] : memref<2x128x128xf32, #tpu.memory_space<vmem>> -> memref<1x64x128xf32, #tpu.memory_space<vmem>>
      %dma_wait3A_76 = tpu.memref_squeeze %dma_wait3A_75 : memref<1x64x128xf32, #tpu.memory_space<vmem>> -> memref<64x128xf32, #tpu.memory_space<vmem>>
      %dma_wait3A_77 = arith.constant 0 : i32
      %dma_wait3A_78 = tpu.memref_slice %arg6[%dma_wait3A_71, %dma_wait3A_77] : memref<40x128xi32, #tpu.memory_space<vmem>> -> memref<1x64xi32, #tpu.memory_space<vmem>>
      %dma_wait3A_79 = tpu.memref_squeeze %dma_wait3A_78 : memref<1x64xi32, #tpu.memory_space<vmem>> -> memref<64xi32, #tpu.memory_space<vmem>>
      %dma_wait3A_80 = arith.constant 0 : i32
      %dma_wait3A_81 = arith.constant 0 : i32
      %dma_wait3A_82 = tpu.memref_slice %arg2[%dma_wait3A_80, %dma_wait3A_81] : memref<10000x128xf32, #tpu.memory_space<hbm>> -> memref<10000x128xf32, #tpu.memory_space<hbm>>
      tpu.wait_indirect_dma semaphore(%arg11 : memref<!tpu.dma_semaphore, #tpu.memory_space<semaphore_mem>>) src(%dma_wait3A_82 : memref<10000x128xf32, #tpu.memory_space<hbm>>) dst(%dma_wait3A_76 : memref<64x128xf32, #tpu.memory_space<vmem>>)
      %dma_wait3A_83 = arith.constant 0 : i32
      %dma_wait3A_84 = arith.constant 1 : i32
      %dma_wait3A_85 = arith.constant 0 : i32
      %dma_wait3A_86 = arith.constant 0 : i32
      %dma_wait3A_87 = tpu.memref_slice %arg8[%dma_wait3A_84, %dma_wait3A_85, %dma_wait3A_86] : memref<2x128x128xf32, #tpu.memory_space<vmem>> -> memref<1x64x128xf32, #tpu.memory_space<vmem>>
      %dma_wait3A_88 = tpu.memref_squeeze %dma_wait3A_87 : memref<1x64x128xf32, #tpu.memory_space<vmem>> -> memref<64x128xf32, #tpu.memory_space<vmem>>
      %dma_wait3A_89 = arith.constant 0 : i32
      %dma_wait3A_90 = tpu.memref_slice %arg6[%dma_wait3A_83, %dma_wait3A_89] : memref<40x128xi32, #tpu.memory_space<vmem>> -> memref<1x64xi32, #tpu.memory_space<vmem>>
      %dma_wait3A_91 = tpu.memref_squeeze %dma_wait3A_90 : memref<1x64xi32, #tpu.memory_space<vmem>> -> memref<64xi32, #tpu.memory_space<vmem>>
      %dma_wait3A_92 = arith.constant 0 : i32
      %dma_wait3A_93 = arith.constant 0 : i32
      %dma_wait3A_94 = tpu.memref_slice %arg2[%dma_wait3A_92, %dma_wait3A_93] : memref<10000x128xf32, #tpu.memory_space<hbm>> -> memref<10000x128xf32, #tpu.memory_space<hbm>>
      tpu.wait_indirect_dma semaphore(%arg11 : memref<!tpu.dma_semaphore, #tpu.memory_space<semaphore_mem>>) src(%dma_wait3A_94 : memref<10000x128xf32, #tpu.memory_space<hbm>>) dst(%dma_wait3A_88 : memref<64x128xf32, #tpu.memory_space<vmem>>)
      %dma_start3A_95 = arith.constant 1 : i32
      %dma_start3A_96 = arith.constant 0 : i32
      %dma_start3A_97 = arith.constant 0 : i32
      %dma_start3A_98 = tpu.memref_slice %arg8[%dma_start3A_95, %dma_start3A_96, %dma_start3A_97] : memref<2x128x128xf32, #tpu.memory_space<vmem>> -> memref<1x128x128xf32, #tpu.memory_space<vmem>>
      %dma_start3A_99 = tpu.memref_squeeze %dma_start3A_98 : memref<1x128x128xf32, #tpu.memory_space<vmem>> -> memref<128x128xf32, #tpu.memory_space<vmem>>
      %dma_start3A_100 = arith.constant 0 : i32
      %dma_start3A_101 = tpu.memref_slice %arg7[%mul3A_59, %dma_start3A_100] : memref<79x128xi32, #tpu.memory_space<vmem>> -> memref<1x128xi32, #tpu.memory_space<vmem>>
      %dma_start3A_102 = tpu.memref_squeeze %dma_start3A_101 : memref<1x128xi32, #tpu.memory_space<vmem>> -> memref<128xi32, #tpu.memory_space<vmem>>
      %dma_start3A_103 = arith.constant 0 : i32
      %dma_start3A_104 = arith.constant 0 : i32
      %dma_start3A_105 = tpu.memref_slice %arg9[%dma_start3A_103, %dma_start3A_104] : memref<10240x128xf32, #tpu.memory_space<vmem_shared>> -> memref<10240x128xf32, #tpu.memory_space<vmem_shared>>
      tpu.enqueue_indirect_dma source(%dma_start3A_99 : memref<128x128xf32, #tpu.memory_space<vmem>>) target(%dma_start3A_105 : memref<10240x128xf32, #tpu.memory_space<vmem_shared>>) offsets(%dma_start3A_102 : memref<128xi32, #tpu.memory_space<vmem>>) semaphore(%arg13 : memref<!tpu.dma_semaphore, #tpu.memory_space<semaphore_mem>>) {add = true}
      %add3A_106 = arith.constant 1 : i32
      %add3A_107 = arith.addi %mul3A_59, %add3A_106 : i32
      %eq3A = arith.constant 40 : i32
      %eq3A_108 = arith.cmpi eq, %add3A_107, %eq3A : i32
      %add3A_109 = arith.constant 1 : i32
      %add3A_110 = arith.addi %mul3A_59, %add3A_109 : i32
      %lt3A_111 = arith.constant 79 : i32
      %lt3A_112 = arith.cmpi slt, %add3A_110, %lt3A_111 : i32
      %and3A_113 = arith.andi %eq3A_108, %lt3A_112 : i1
      %convert_element_type3A_114 = arith.extui %and3A_113 : i1 to i32
      %cond3A_115 = arith.constant 0 : i32
      %cond3A_116 = arith.cmpi ne, %convert_element_type3A_114, %cond3A_115 : i32
      scf.if %cond3A_116 {
        "tpu.region"() ({
          %run_scoped3A = tpu.sem_alloc : memref<!tpu.dma_semaphore, #tpu.memory_space<semaphore_mem>>
          %dma_start3A_163 = arith.constant 0 : i32
          %dma_start3A_164 = arith.constant 0 : i32
          %dma_start3A_165 = tpu.memref_slice %arg6[%dma_start3A_163, %dma_start3A_164] : memref<40x128xi32, #tpu.memory_space<vmem>> -> memref<39x128xi32, #tpu.memory_space<vmem>>
          %dma_start3A_166 = arith.constant 40 : i32
          %dma_start3A_167 = arith.constant 0 : i32
          %dma_start3A_168 = tpu.memref_slice %arg3[%add3A, %dma_start3A_166, %dma_start3A_167] : memref<32x79x128xi32, #tpu.memory_space<hbm>> -> memref<1x39x128xi32, #tpu.memory_space<hbm>>
          %dma_start3A_169 = tpu.memref_squeeze %dma_start3A_168 : memref<1x39x128xi32, #tpu.memory_space<hbm>> -> memref<39x128xi32, #tpu.memory_space<hbm>>
          %dma_start3A_170 = arith.constant 0 : i32
          %dma_start3A_171 = arith.constant 0 : i32
          %dma_start3A_172 = tpu.memref_slice %arg6[%dma_start3A_170, %dma_start3A_171] : memref<40x128xi32, #tpu.memory_space<vmem>> -> memref<39x128xi32, #tpu.memory_space<vmem>>
          %dma_start3A_173 = arith.constant 40 : i32
          %dma_start3A_174 = arith.constant 0 : i32
          %dma_start3A_175 = tpu.memref_slice %arg3[%add3A, %dma_start3A_173, %dma_start3A_174] : memref<32x79x128xi32, #tpu.memory_space<hbm>> -> memref<1x39x128xi32, #tpu.memory_space<hbm>>
          %dma_start3A_176 = tpu.memref_squeeze %dma_start3A_175 : memref<1x39x128xi32, #tpu.memory_space<hbm>> -> memref<39x128xi32, #tpu.memory_space<hbm>>
          tpu.enqueue_dma source(%dma_start3A_176 : memref<39x128xi32, #tpu.memory_space<hbm>>) target(%dma_start3A_172 : memref<39x128xi32, #tpu.memory_space<vmem>>) target_semaphore(%run_scoped3A : memref<!tpu.dma_semaphore, #tpu.memory_space<semaphore_mem>>)
          %dma_wait3A_177 = arith.constant 0 : i32
          %dma_wait3A_178 = arith.constant 0 : i32
          %dma_wait3A_179 = tpu.memref_slice %arg6[%dma_wait3A_177, %dma_wait3A_178] : memref<40x128xi32, #tpu.memory_space<vmem>> -> memref<39x128xi32, #tpu.memory_space<vmem>>
          %dma_wait3A_180 = arith.constant 40 : i32
          %dma_wait3A_181 = arith.constant 0 : i32
          %dma_wait3A_182 = tpu.memref_slice %arg3[%add3A, %dma_wait3A_180, %dma_wait3A_181] : memref<32x79x128xi32, #tpu.memory_space<hbm>> -> memref<1x39x128xi32, #tpu.memory_space<hbm>>
          %dma_wait3A_183 = tpu.memref_squeeze %dma_wait3A_182 : memref<1x39x128xi32, #tpu.memory_space<hbm>> -> memref<39x128xi32, #tpu.memory_space<hbm>>
          %dma_wait3A_184 = arith.constant 0 : i32
          %dma_wait3A_185 = arith.constant 0 : i32
          %dma_wait3A_186 = tpu.memref_slice %arg6[%dma_wait3A_184, %dma_wait3A_185] : memref<40x128xi32, #tpu.memory_space<vmem>> -> memref<39x128xi32, #tpu.memory_space<vmem>>
          %dma_wait3A_187 = arith.constant 40 : i32
          %dma_wait3A_188 = arith.constant 0 : i32
          %dma_wait3A_189 = tpu.memref_slice %arg3[%add3A, %dma_wait3A_187, %dma_wait3A_188] : memref<32x79x128xi32, #tpu.memory_space<hbm>> -> memref<1x39x128xi32, #tpu.memory_space<hbm>>
          %dma_wait3A_190 = tpu.memref_squeeze %dma_wait3A_189 : memref<1x39x128xi32, #tpu.memory_space<hbm>> -> memref<39x128xi32, #tpu.memory_space<hbm>>
          tpu.wait_dma2 semaphore(%run_scoped3A : memref<!tpu.dma_semaphore, #tpu.memory_space<semaphore_mem>>) src(%dma_wait3A_190 : memref<39x128xi32, #tpu.memory_space<hbm>>) dst(%dma_wait3A_186 : memref<39x128xi32, #tpu.memory_space<vmem>>)
          tpu.yield
        }) : () -> ()
        %add3A_126 = arith.constant 1 : i32
        %add3A_127 = arith.addi %mul3A_59, %add3A_126 : i32
        %jit3A = arith.constant 40 : i32
        %eq3A_128 = arith.constant 0 : i32
        %eq3A_129 = arith.cmpi eq, %jit3A, %eq3A_128 : i32
        %jit3A_130 = arith.constant 1 : i32
        %select_n3A = arith.select %eq3A_129, %jit3A_130, %jit3A : i32
        %rem3A = arith.remsi %add3A_127, %select_n3A : i32
        %ne3A_131 = arith.constant 0 : i32
        %ne3A_132 = arith.cmpi ne, %rem3A, %ne3A_131 : i32
        %lt3A_133 = arith.constant 0 : i32
        %lt3A_134 = arith.cmpi slt, %rem3A, %lt3A_133 : i32
        %lt3A_135 = arith.constant 0 : i32
        %lt3A_136 = arith.cmpi slt, %select_n3A, %lt3A_135 : i32
        %ne3A_137 = arith.xori %lt3A_134, %lt3A_136 : i1
        %and3A_138 = arith.andi %ne3A_137, %ne3A_132 : i1
        %add3A_139 = arith.addi %rem3A, %select_n3A : i32
        %select_n3A_140 = arith.select %and3A_138, %add3A_139, %rem3A : i32
        %dma_start3A_141 = arith.constant 0 : i32
        %dma_start3A_142 = arith.constant 0 : i32
        %dma_start3A_143 = arith.constant 0 : i32
        %dma_start3A_144 = tpu.memref_slice %arg8[%dma_start3A_141, %dma_start3A_142, %dma_start3A_143] : memref<2x128x128xf32, #tpu.memory_space<vmem>> -> memref<1x64x128xf32, #tpu.memory_space<vmem>>
        %dma_start3A_145 = tpu.memref_squeeze %dma_start3A_144 : memref<1x64x128xf32, #tpu.memory_space<vmem>> -> memref<64x128xf32, #tpu.memory_space<vmem>>
        %dma_start3A_146 = arith.constant 0 : i32
        %dma_start3A_147 = tpu.memref_slice %arg6[%select_n3A_140, %dma_start3A_146] : memref<40x128xi32, #tpu.memory_space<vmem>> -> memref<1x64xi32, #tpu.memory_space<vmem>>
        %dma_start3A_148 = tpu.memref_squeeze %dma_start3A_147 : memref<1x64xi32, #tpu.memory_space<vmem>> -> memref<64xi32, #tpu.memory_space<vmem>>
        %dma_start3A_149 = arith.constant 0 : i32
        %dma_start3A_150 = arith.constant 0 : i32
        %dma_start3A_151 = tpu.memref_slice %arg2[%dma_start3A_149, %dma_start3A_150] : memref<10000x128xf32, #tpu.memory_space<hbm>> -> memref<10000x128xf32, #tpu.memory_space<hbm>>
        tpu.enqueue_indirect_dma source(%dma_start3A_151 : memref<10000x128xf32, #tpu.memory_space<hbm>>) target(%dma_start3A_145 : memref<64x128xf32, #tpu.memory_space<vmem>>) offsets(%dma_start3A_148 : memref<64xi32, #tpu.memory_space<vmem>>) semaphore(%arg10 : memref<!tpu.dma_semaphore, #tpu.memory_space<semaphore_mem>>)
        %dma_start3A_152 = arith.constant 0 : i32
        %dma_start3A_153 = arith.constant 64 : i32
        %dma_start3A_154 = arith.constant 0 : i32
        %dma_start3A_155 = tpu.memref_slice %arg8[%dma_start3A_152, %dma_start3A_153, %dma_start3A_154] : memref<2x128x128xf32, #tpu.memory_space<vmem>> -> memref<1x64x128xf32, #tpu.memory_space<vmem>>
        %dma_start3A_156 = tpu.memref_squeeze %dma_start3A_155 : memref<1x64x128xf32, #tpu.memory_space<vmem>> -> memref<64x128xf32, #tpu.memory_space<vmem>>
        %dma_start3A_157 = arith.constant 64 : i32
        %dma_start3A_158 = tpu.memref_slice %arg6[%select_n3A_140, %dma_start3A_157] : memref<40x128xi32, #tpu.memory_space<vmem>> -> memref<1x64xi32, #tpu.memory_space<vmem>>
        %dma_start3A_159 = tpu.memref_squeeze %dma_start3A_158 : memref<1x64xi32, #tpu.memory_space<vmem>> -> memref<64xi32, #tpu.memory_space<vmem>>
        %dma_start3A_160 = arith.constant 0 : i32
        %dma_start3A_161 = arith.constant 0 : i32
        %dma_start3A_162 = tpu.memref_slice %arg2[%dma_start3A_160, %dma_start3A_161] : memref<10000x128xf32, #tpu.memory_space<hbm>> -> memref<10000x128xf32, #tpu.memory_space<hbm>>
        tpu.enqueue_indirect_dma source(%dma_start3A_162 : memref<10000x128xf32, #tpu.memory_space<hbm>>) target(%dma_start3A_156 : memref<64x128xf32, #tpu.memory_space<vmem>>) offsets(%dma_start3A_159 : memref<64xi32, #tpu.memory_space<vmem>>) semaphore(%arg10 : memref<!tpu.dma_semaphore, #tpu.memory_space<semaphore_mem>>)
      } else {
      }
      %mul3A_117 = arith.constant 2 : i32
      %mul3A_118 = arith.muli %mul3A_117, %scan3A_57 : i32
      %add3A_119 = arith.constant 1 : i32
      %add3A_120 = arith.addi %mul3A_118, %add3A_119 : i32
      %lt3A_121 = arith.constant 79 : i32
      %lt3A_122 = arith.cmpi slt, %add3A_120, %lt3A_121 : i32
      %convert_element_type3A_123 = arith.extui %lt3A_122 : i1 to i32
      %cond3A_124 = arith.constant 0 : i32
      %cond3A_125 = arith.cmpi ne, %convert_element_type3A_123, %cond3A_124 : i32
      scf.if %cond3A_125 {
        %mul3A_126 = arith.constant 2 : i32
        %mul3A_127 = arith.muli %mul3A_126, %scan3A_57 : i32
        %add3A_128 = arith.constant 1 : i32
        %add3A_129 = arith.addi %mul3A_127, %add3A_128 : i32
        %ge3A_130 = arith.constant 1 : i32
        %ge3A_131 = arith.cmpi sge, %add3A_129, %ge3A_130 : i32
        %convert_element_type3A_132 = arith.extui %ge3A_131 : i1 to i32
        %cond3A_133 = arith.constant 0 : i32
        %cond3A_134 = arith.cmpi ne, %convert_element_type3A_132, %cond3A_133 : i32
        scf.if %cond3A_134 {
          %dma_wait3A_194 = arith.constant 1 : i32
          %dma_wait3A_195 = arith.constant 0 : i32
          %dma_wait3A_196 = arith.constant 0 : i32
          %dma_wait3A_197 = arith.constant 0 : i32
          %dma_wait3A_198 = tpu.memref_slice %arg8[%dma_wait3A_194, %dma_wait3A_196, %dma_wait3A_197] : memref<2x128x128xf32, #tpu.memory_space<vmem>> -> memref<1x128x128xf32, #tpu.memory_space<vmem>>
          %dma_wait3A_199 = tpu.memref_squeeze %dma_wait3A_198 : memref<1x128x128xf32, #tpu.memory_space<vmem>> -> memref<128x128xf32, #tpu.memory_space<vmem>>
          %dma_wait3A_200 = arith.constant 0 : i32
          %dma_wait3A_201 = tpu.memref_slice %arg7[%dma_wait3A_195, %dma_wait3A_200] : memref<79x128xi32, #tpu.memory_space<vmem>> -> memref<1x128xi32, #tpu.memory_space<vmem>>
          %dma_wait3A_202 = tpu.memref_squeeze %dma_wait3A_201 : memref<1x128xi32, #tpu.memory_space<vmem>> -> memref<128xi32, #tpu.memory_space<vmem>>
          %dma_wait3A_203 = arith.constant 0 : i32
          %dma_wait3A_204 = arith.constant 0 : i32
          %dma_wait3A_205 = tpu.memref_slice %arg9[%dma_wait3A_203, %dma_wait3A_204] : memref<10240x128xf32, #tpu.memory_space<vmem_shared>> -> memref<10240x128xf32, #tpu.memory_space<vmem_shared>>
          tpu.wait_indirect_dma semaphore(%arg13 : memref<!tpu.dma_semaphore, #tpu.memory_space<semaphore_mem>>) src(%dma_wait3A_199 : memref<128x128xf32, #tpu.memory_space<vmem>>) dst(%dma_wait3A_205 : memref<10240x128xf32, #tpu.memory_space<vmem_shared>>)
        } else {
        }
        %add3A_135 = arith.constant 1 : i32
        %add3A_136 = arith.addi %add3A_129, %add3A_135 : i32
        %lt3A_137 = arith.constant 79 : i32
        %lt3A_138 = arith.cmpi slt, %add3A_136, %lt3A_137 : i32
        %add3A_139 = arith.constant 1 : i32
        %add3A_140 = arith.addi %add3A_129, %add3A_139 : i32
        %ne3A_141 = arith.constant 40 : i32
        %ne3A_142 = arith.cmpi ne, %add3A_140, %ne3A_141 : i32
        %and3A_143 = arith.andi %lt3A_138, %ne3A_142 : i1
        %convert_element_type3A_144 = arith.extui %and3A_143 : i1 to i32
        %cond3A_145 = arith.constant 0 : i32
        %cond3A_146 = arith.cmpi ne, %convert_element_type3A_144, %cond3A_145 : i32
        scf.if %cond3A_146 {
          %add3A_194 = arith.constant 1 : i32
          %add3A_195 = arith.addi %add3A_129, %add3A_194 : i32
          %jit3A = arith.constant 40 : i32
          %eq3A_196 = arith.constant 0 : i32
          %eq3A_197 = arith.cmpi eq, %jit3A, %eq3A_196 : i32
          %jit3A_198 = arith.constant 1 : i32
          %select_n3A = arith.select %eq3A_197, %jit3A_198, %jit3A : i32
          %rem3A = arith.remsi %add3A_195, %select_n3A : i32
          %ne3A_199 = arith.constant 0 : i32
          %ne3A_200 = arith.cmpi ne, %rem3A, %ne3A_199 : i32
          %lt3A_201 = arith.constant 0 : i32
          %lt3A_202 = arith.cmpi slt, %rem3A, %lt3A_201 : i32
          %lt3A_203 = arith.constant 0 : i32
          %lt3A_204 = arith.cmpi slt, %select_n3A, %lt3A_203 : i32
          %ne3A_205 = arith.xori %lt3A_202, %lt3A_204 : i1
          %and3A_206 = arith.andi %ne3A_205, %ne3A_200 : i1
          %add3A_207 = arith.addi %rem3A, %select_n3A : i32
          %select_n3A_208 = arith.select %and3A_206, %add3A_207, %rem3A : i32
          %dma_start3A_209 = arith.constant 1 : i32
          %dma_start3A_210 = arith.constant 0 : i32
          %dma_start3A_211 = arith.constant 0 : i32
          %dma_start3A_212 = tpu.memref_slice %arg8[%dma_start3A_209, %dma_start3A_210, %dma_start3A_211] : memref<2x128x128xf32, #tpu.memory_space<vmem>> -> memref<1x64x128xf32, #tpu.memory_space<vmem>>
          %dma_start3A_213 = tpu.memref_squeeze %dma_start3A_212 : memref<1x64x128xf32, #tpu.memory_space<vmem>> -> memref<64x128xf32, #tpu.memory_space<vmem>>
          %dma_start3A_214 = arith.constant 0 : i32
          %dma_start3A_215 = tpu.memref_slice %arg6[%select_n3A_208, %dma_start3A_214] : memref<40x128xi32, #tpu.memory_space<vmem>> -> memref<1x64xi32, #tpu.memory_space<vmem>>
          %dma_start3A_216 = tpu.memref_squeeze %dma_start3A_215 : memref<1x64xi32, #tpu.memory_space<vmem>> -> memref<64xi32, #tpu.memory_space<vmem>>
          %dma_start3A_217 = arith.constant 0 : i32
          %dma_start3A_218 = arith.constant 0 : i32
          %dma_start3A_219 = tpu.memref_slice %arg2[%dma_start3A_217, %dma_start3A_218] : memref<10000x128xf32, #tpu.memory_space<hbm>> -> memref<10000x128xf32, #tpu.memory_space<hbm>>
          tpu.enqueue_indirect_dma source(%dma_start3A_219 : memref<10000x128xf32, #tpu.memory_space<hbm>>) target(%dma_start3A_213 : memref<64x128xf32, #tpu.memory_space<vmem>>) offsets(%dma_start3A_216 : memref<64xi32, #tpu.memory_space<vmem>>) semaphore(%arg11 : memref<!tpu.dma_semaphore, #tpu.memory_space<semaphore_mem>>)
          %dma_start3A_220 = arith.constant 1 : i32
          %dma_start3A_221 = arith.constant 64 : i32
          %dma_start3A_222 = arith.constant 0 : i32
          %dma_start3A_223 = tpu.memref_slice %arg8[%dma_start3A_220, %dma_start3A_221, %dma_start3A_222] : memref<2x128x128xf32, #tpu.memory_space<vmem>> -> memref<1x64x128xf32, #tpu.memory_space<vmem>>
          %dma_start3A_224 = tpu.memref_squeeze %dma_start3A_223 : memref<1x64x128xf32, #tpu.memory_space<vmem>> -> memref<64x128xf32, #tpu.memory_space<vmem>>
          %dma_start3A_225 = arith.constant 64 : i32
          %dma_start3A_226 = tpu.memref_slice %arg6[%select_n3A_208, %dma_start3A_225] : memref<40x128xi32, #tpu.memory_space<vmem>> -> memref<1x64xi32, #tpu.memory_space<vmem>>
          %dma_start3A_227 = tpu.memref_squeeze %dma_start3A_226 : memref<1x64xi32, #tpu.memory_space<vmem>> -> memref<64xi32, #tpu.memory_space<vmem>>
          %dma_start3A_228 = arith.constant 0 : i32
          %dma_start3A_229 = arith.constant 0 : i32
          %dma_start3A_230 = tpu.memref_slice %arg2[%dma_start3A_228, %dma_start3A_229] : memref<10000x128xf32, #tpu.memory_space<hbm>> -> memref<10000x128xf32, #tpu.memory_space<hbm>>
          tpu.enqueue_indirect_dma source(%dma_start3A_230 : memref<10000x128xf32, #tpu.memory_space<hbm>>) target(%dma_start3A_224 : memref<64x128xf32, #tpu.memory_space<vmem>>) offsets(%dma_start3A_227 : memref<64xi32, #tpu.memory_space<vmem>>) semaphore(%arg11 : memref<!tpu.dma_semaphore, #tpu.memory_space<semaphore_mem>>)
        } else {
        }
        %dma_wait3A_147 = arith.constant 0 : i32
        %dma_wait3A_148 = arith.constant 0 : i32
        %dma_wait3A_149 = arith.constant 0 : i32
        %dma_wait3A_150 = arith.constant 0 : i32
        %dma_wait3A_151 = tpu.memref_slice %arg8[%dma_wait3A_148, %dma_wait3A_149, %dma_wait3A_150] : memref<2x128x128xf32, #tpu.memory_space<vmem>> -> memref<1x64x128xf32, #tpu.memory_space<vmem>>
        %dma_wait3A_152 = tpu.memref_squeeze %dma_wait3A_151 : memref<1x64x128xf32, #tpu.memory_space<vmem>> -> memref<64x128xf32, #tpu.memory_space<vmem>>
        %dma_wait3A_153 = arith.constant 0 : i32
        %dma_wait3A_154 = tpu.memref_slice %arg6[%dma_wait3A_147, %dma_wait3A_153] : memref<40x128xi32, #tpu.memory_space<vmem>> -> memref<1x64xi32, #tpu.memory_space<vmem>>
        %dma_wait3A_155 = tpu.memref_squeeze %dma_wait3A_154 : memref<1x64xi32, #tpu.memory_space<vmem>> -> memref<64xi32, #tpu.memory_space<vmem>>
        %dma_wait3A_156 = arith.constant 0 : i32
        %dma_wait3A_157 = arith.constant 0 : i32
        %dma_wait3A_158 = tpu.memref_slice %arg2[%dma_wait3A_156, %dma_wait3A_157] : memref<10000x128xf32, #tpu.memory_space<hbm>> -> memref<10000x128xf32, #tpu.memory_space<hbm>>
        tpu.wait_indirect_dma semaphore(%arg10 : memref<!tpu.dma_semaphore, #tpu.memory_space<semaphore_mem>>) src(%dma_wait3A_158 : memref<10000x128xf32, #tpu.memory_space<hbm>>) dst(%dma_wait3A_152 : memref<64x128xf32, #tpu.memory_space<vmem>>)
        %dma_wait3A_159 = arith.constant 0 : i32
        %dma_wait3A_160 = arith.constant 0 : i32
        %dma_wait3A_161 = arith.constant 0 : i32
        %dma_wait3A_162 = arith.constant 0 : i32
        %dma_wait3A_163 = tpu.memref_slice %arg8[%dma_wait3A_160, %dma_wait3A_161, %dma_wait3A_162] : memref<2x128x128xf32, #tpu.memory_space<vmem>> -> memref<1x64x128xf32, #tpu.memory_space<vmem>>
        %dma_wait3A_164 = tpu.memref_squeeze %dma_wait3A_163 : memref<1x64x128xf32, #tpu.memory_space<vmem>> -> memref<64x128xf32, #tpu.memory_space<vmem>>
        %dma_wait3A_165 = arith.constant 0 : i32
        %dma_wait3A_166 = tpu.memref_slice %arg6[%dma_wait3A_159, %dma_wait3A_165] : memref<40x128xi32, #tpu.memory_space<vmem>> -> memref<1x64xi32, #tpu.memory_space<vmem>>
        %dma_wait3A_167 = tpu.memref_squeeze %dma_wait3A_166 : memref<1x64xi32, #tpu.memory_space<vmem>> -> memref<64xi32, #tpu.memory_space<vmem>>
        %dma_wait3A_168 = arith.constant 0 : i32
        %dma_wait3A_169 = arith.constant 0 : i32
        %dma_wait3A_170 = tpu.memref_slice %arg2[%dma_wait3A_168, %dma_wait3A_169] : memref<10000x128xf32, #tpu.memory_space<hbm>> -> memref<10000x128xf32, #tpu.memory_space<hbm>>
        tpu.wait_indirect_dma semaphore(%arg10 : memref<!tpu.dma_semaphore, #tpu.memory_space<semaphore_mem>>) src(%dma_wait3A_170 : memref<10000x128xf32, #tpu.memory_space<hbm>>) dst(%dma_wait3A_164 : memref<64x128xf32, #tpu.memory_space<vmem>>)
        %dma_start3A_171 = arith.constant 0 : i32
        %dma_start3A_172 = arith.constant 0 : i32
        %dma_start3A_173 = arith.constant 0 : i32
        %dma_start3A_174 = tpu.memref_slice %arg8[%dma_start3A_171, %dma_start3A_172, %dma_start3A_173] : memref<2x128x128xf32, #tpu.memory_space<vmem>> -> memref<1x128x128xf32, #tpu.memory_space<vmem>>
        %dma_start3A_175 = tpu.memref_squeeze %dma_start3A_174 : memref<1x128x128xf32, #tpu.memory_space<vmem>> -> memref<128x128xf32, #tpu.memory_space<vmem>>
        %dma_start3A_176 = arith.constant 0 : i32
        %dma_start3A_177 = tpu.memref_slice %arg7[%add3A_129, %dma_start3A_176] : memref<79x128xi32, #tpu.memory_space<vmem>> -> memref<1x128xi32, #tpu.memory_space<vmem>>
        %dma_start3A_178 = tpu.memref_squeeze %dma_start3A_177 : memref<1x128xi32, #tpu.memory_space<vmem>> -> memref<128xi32, #tpu.memory_space<vmem>>
        %dma_start3A_179 = arith.constant 0 : i32
        %dma_start3A_180 = arith.constant 0 : i32
        %dma_start3A_181 = tpu.memref_slice %arg9[%dma_start3A_179, %dma_start3A_180] : memref<10240x128xf32, #tpu.memory_space<vmem_shared>> -> memref<10240x128xf32, #tpu.memory_space<vmem_shared>>
        tpu.enqueue_indirect_dma source(%dma_start3A_175 : memref<128x128xf32, #tpu.memory_space<vmem>>) target(%dma_start3A_181 : memref<10240x128xf32, #tpu.memory_space<vmem_shared>>) offsets(%dma_start3A_178 : memref<128xi32, #tpu.memory_space<vmem>>) semaphore(%arg12 : memref<!tpu.dma_semaphore, #tpu.memory_space<semaphore_mem>>) {add = true}
        %add3A_182 = arith.constant 1 : i32
        %add3A_183 = arith.addi %add3A_129, %add3A_182 : i32
        %eq3A_184 = arith.constant 40 : i32
        %eq3A_185 = arith.cmpi eq, %add3A_183, %eq3A_184 : i32
        %add3A_186 = arith.constant 1 : i32
        %add3A_187 = arith.addi %add3A_129, %add3A_186 : i32
        %lt3A_188 = arith.constant 79 : i32
        %lt3A_189 = arith.cmpi slt, %add3A_187, %lt3A_188 : i32
        %and3A_190 = arith.andi %eq3A_185, %lt3A_189 : i1
        %convert_element_type3A_191 = arith.extui %and3A_190 : i1 to i32
        %cond3A_192 = arith.constant 0 : i32
        %cond3A_193 = arith.cmpi ne, %convert_element_type3A_191, %cond3A_192 : i32
        scf.if %cond3A_193 {
          "tpu.region"() ({
            %run_scoped3A = tpu.sem_alloc : memref<!tpu.dma_semaphore, #tpu.memory_space<semaphore_mem>>
            %dma_start3A_231 = arith.constant 0 : i32
            %dma_start3A_232 = arith.constant 0 : i32
            %dma_start3A_233 = tpu.memref_slice %arg6[%dma_start3A_231, %dma_start3A_232] : memref<40x128xi32, #tpu.memory_space<vmem>> -> memref<39x128xi32, #tpu.memory_space<vmem>>
            %dma_start3A_234 = arith.constant 40 : i32
            %dma_start3A_235 = arith.constant 0 : i32
            %dma_start3A_236 = tpu.memref_slice %arg3[%add3A, %dma_start3A_234, %dma_start3A_235] : memref<32x79x128xi32, #tpu.memory_space<hbm>> -> memref<1x39x128xi32, #tpu.memory_space<hbm>>
            %dma_start3A_237 = tpu.memref_squeeze %dma_start3A_236 : memref<1x39x128xi32, #tpu.memory_space<hbm>> -> memref<39x128xi32, #tpu.memory_space<hbm>>
            %dma_start3A_238 = arith.constant 0 : i32
            %dma_start3A_239 = arith.constant 0 : i32
            %dma_start3A_240 = tpu.memref_slice %arg6[%dma_start3A_238, %dma_start3A_239] : memref<40x128xi32, #tpu.memory_space<vmem>> -> memref<39x128xi32, #tpu.memory_space<vmem>>
            %dma_start3A_241 = arith.constant 40 : i32
            %dma_start3A_242 = arith.constant 0 : i32
            %dma_start3A_243 = tpu.memref_slice %arg3[%add3A, %dma_start3A_241, %dma_start3A_242] : memref<32x79x128xi32, #tpu.memory_space<hbm>> -> memref<1x39x128xi32, #tpu.memory_space<hbm>>
            %dma_start3A_244 = tpu.memref_squeeze %dma_start3A_243 : memref<1x39x128xi32, #tpu.memory_space<hbm>> -> memref<39x128xi32, #tpu.memory_space<hbm>>
            tpu.enqueue_dma source(%dma_start3A_244 : memref<39x128xi32, #tpu.memory_space<hbm>>) target(%dma_start3A_240 : memref<39x128xi32, #tpu.memory_space<vmem>>) target_semaphore(%run_scoped3A : memref<!tpu.dma_semaphore, #tpu.memory_space<semaphore_mem>>)
            %dma_wait3A_245 = arith.constant 0 : i32
            %dma_wait3A_246 = arith.constant 0 : i32
            %dma_wait3A_247 = tpu.memref_slice %arg6[%dma_wait3A_245, %dma_wait3A_246] : memref<40x128xi32, #tpu.memory_space<vmem>> -> memref<39x128xi32, #tpu.memory_space<vmem>>
            %dma_wait3A_248 = arith.constant 40 : i32
            %dma_wait3A_249 = arith.constant 0 : i32
            %dma_wait3A_250 = tpu.memref_slice %arg3[%add3A, %dma_wait3A_248, %dma_wait3A_249] : memref<32x79x128xi32, #tpu.memory_space<hbm>> -> memref<1x39x128xi32, #tpu.memory_space<hbm>>
            %dma_wait3A_251 = tpu.memref_squeeze %dma_wait3A_250 : memref<1x39x128xi32, #tpu.memory_space<hbm>> -> memref<39x128xi32, #tpu.memory_space<hbm>>
            %dma_wait3A_252 = arith.constant 0 : i32
            %dma_wait3A_253 = arith.constant 0 : i32
            %dma_wait3A_254 = tpu.memref_slice %arg6[%dma_wait3A_252, %dma_wait3A_253] : memref<40x128xi32, #tpu.memory_space<vmem>> -> memref<39x128xi32, #tpu.memory_space<vmem>>
            %dma_wait3A_255 = arith.constant 40 : i32
            %dma_wait3A_256 = arith.constant 0 : i32
            %dma_wait3A_257 = tpu.memref_slice %arg3[%add3A, %dma_wait3A_255, %dma_wait3A_256] : memref<32x79x128xi32, #tpu.memory_space<hbm>> -> memref<1x39x128xi32, #tpu.memory_space<hbm>>
            %dma_wait3A_258 = tpu.memref_squeeze %dma_wait3A_257 : memref<1x39x128xi32, #tpu.memory_space<hbm>> -> memref<39x128xi32, #tpu.memory_space<hbm>>
            tpu.wait_dma2 semaphore(%run_scoped3A : memref<!tpu.dma_semaphore, #tpu.memory_space<semaphore_mem>>) src(%dma_wait3A_258 : memref<39x128xi32, #tpu.memory_space<hbm>>) dst(%dma_wait3A_254 : memref<39x128xi32, #tpu.memory_space<vmem>>)
            tpu.yield
          }) : () -> ()
          %add3A_194 = arith.constant 1 : i32
          %add3A_195 = arith.addi %add3A_129, %add3A_194 : i32
          %jit3A = arith.constant 40 : i32
          %eq3A_196 = arith.constant 0 : i32
          %eq3A_197 = arith.cmpi eq, %jit3A, %eq3A_196 : i32
          %jit3A_198 = arith.constant 1 : i32
          %select_n3A = arith.select %eq3A_197, %jit3A_198, %jit3A : i32
          %rem3A = arith.remsi %add3A_195, %select_n3A : i32
          %ne3A_199 = arith.constant 0 : i32
          %ne3A_200 = arith.cmpi ne, %rem3A, %ne3A_199 : i32
          %lt3A_201 = arith.constant 0 : i32
          %lt3A_202 = arith.cmpi slt, %rem3A, %lt3A_201 : i32
          %lt3A_203 = arith.constant 0 : i32
          %lt3A_204 = arith.cmpi slt, %select_n3A, %lt3A_203 : i32
          %ne3A_205 = arith.xori %lt3A_202, %lt3A_204 : i1
          %and3A_206 = arith.andi %ne3A_205, %ne3A_200 : i1
          %add3A_207 = arith.addi %rem3A, %select_n3A : i32
          %select_n3A_208 = arith.select %and3A_206, %add3A_207, %rem3A : i32
          %dma_start3A_209 = arith.constant 1 : i32
          %dma_start3A_210 = arith.constant 0 : i32
          %dma_start3A_211 = arith.constant 0 : i32
          %dma_start3A_212 = tpu.memref_slice %arg8[%dma_start3A_209, %dma_start3A_210, %dma_start3A_211] : memref<2x128x128xf32, #tpu.memory_space<vmem>> -> memref<1x64x128xf32, #tpu.memory_space<vmem>>
          %dma_start3A_213 = tpu.memref_squeeze %dma_start3A_212 : memref<1x64x128xf32, #tpu.memory_space<vmem>> -> memref<64x128xf32, #tpu.memory_space<vmem>>
          %dma_start3A_214 = arith.constant 0 : i32
          %dma_start3A_215 = tpu.memref_slice %arg6[%select_n3A_208, %dma_start3A_214] : memref<40x128xi32, #tpu.memory_space<vmem>> -> memref<1x64xi32, #tpu.memory_space<vmem>>
          %dma_start3A_216 = tpu.memref_squeeze %dma_start3A_215 : memref<1x64xi32, #tpu.memory_space<vmem>> -> memref<64xi32, #tpu.memory_space<vmem>>
          %dma_start3A_217 = arith.constant 0 : i32
          %dma_start3A_218 = arith.constant 0 : i32
          %dma_start3A_219 = tpu.memref_slice %arg2[%dma_start3A_217, %dma_start3A_218] : memref<10000x128xf32, #tpu.memory_space<hbm>> -> memref<10000x128xf32, #tpu.memory_space<hbm>>
          tpu.enqueue_indirect_dma source(%dma_start3A_219 : memref<10000x128xf32, #tpu.memory_space<hbm>>) target(%dma_start3A_213 : memref<64x128xf32, #tpu.memory_space<vmem>>) offsets(%dma_start3A_216 : memref<64xi32, #tpu.memory_space<vmem>>) semaphore(%arg11 : memref<!tpu.dma_semaphore, #tpu.memory_space<semaphore_mem>>)
          %dma_start3A_220 = arith.constant 1 : i32
          %dma_start3A_221 = arith.constant 64 : i32
          %dma_start3A_222 = arith.constant 0 : i32
          %dma_start3A_223 = tpu.memref_slice %arg8[%dma_start3A_220, %dma_start3A_221, %dma_start3A_222] : memref<2x128x128xf32, #tpu.memory_space<vmem>> -> memref<1x64x128xf32, #tpu.memory_space<vmem>>
          %dma_start3A_224 = tpu.memref_squeeze %dma_start3A_223 : memref<1x64x128xf32, #tpu.memory_space<vmem>> -> memref<64x128xf32, #tpu.memory_space<vmem>>
          %dma_start3A_225 = arith.constant 64 : i32
          %dma_start3A_226 = tpu.memref_slice %arg6[%select_n3A_208, %dma_start3A_225] : memref<40x128xi32, #tpu.memory_space<vmem>> -> memref<1x64xi32, #tpu.memory_space<vmem>>
          %dma_start3A_227 = tpu.memref_squeeze %dma_start3A_226 : memref<1x64xi32, #tpu.memory_space<vmem>> -> memref<64xi32, #tpu.memory_space<vmem>>
          %dma_start3A_228 = arith.constant 0 : i32
          %dma_start3A_229 = arith.constant 0 : i32
          %dma_start3A_230 = tpu.memref_slice %arg2[%dma_start3A_228, %dma_start3A_229] : memref<10000x128xf32, #tpu.memory_space<hbm>> -> memref<10000x128xf32, #tpu.memory_space<hbm>>
          tpu.enqueue_indirect_dma source(%dma_start3A_230 : memref<10000x128xf32, #tpu.memory_space<hbm>>) target(%dma_start3A_224 : memref<64x128xf32, #tpu.memory_space<vmem>>) offsets(%dma_start3A_227 : memref<64xi32, #tpu.memory_space<vmem>>) semaphore(%arg11 : memref<!tpu.dma_semaphore, #tpu.memory_space<semaphore_mem>>)
        } else {
        }
      } else {
      }
    }
    %scan3A_44 = arith.constant 40 : i32
    %dma_wait3A = arith.constant 0 : i32
    %dma_wait3A_45 = arith.constant 0 : i32
    %dma_wait3A_46 = arith.constant 0 : i32
    %dma_wait3A_47 = arith.constant 0 : i32
    %dma_wait3A_48 = tpu.memref_slice %arg8[%dma_wait3A, %dma_wait3A_46, %dma_wait3A_47] : memref<2x128x128xf32, #tpu.memory_space<vmem>> -> memref<1x128x128xf32, #tpu.memory_space<vmem>>
    %dma_wait3A_49 = tpu.memref_squeeze %dma_wait3A_48 : memref<1x128x128xf32, #tpu.memory_space<vmem>> -> memref<128x128xf32, #tpu.memory_space<vmem>>
    %dma_wait3A_50 = arith.constant 0 : i32
    %dma_wait3A_51 = tpu.memref_slice %arg7[%dma_wait3A_45, %dma_wait3A_50] : memref<79x128xi32, #tpu.memory_space<vmem>> -> memref<1x128xi32, #tpu.memory_space<vmem>>
    %dma_wait3A_52 = tpu.memref_squeeze %dma_wait3A_51 : memref<1x128xi32, #tpu.memory_space<vmem>> -> memref<128xi32, #tpu.memory_space<vmem>>
    %dma_wait3A_53 = arith.constant 0 : i32
    %dma_wait3A_54 = arith.constant 0 : i32
    %dma_wait3A_55 = tpu.memref_slice %arg9[%dma_wait3A_53, %dma_wait3A_54] : memref<10240x128xf32, #tpu.memory_space<vmem_shared>> -> memref<10240x128xf32, #tpu.memory_space<vmem_shared>>
    tpu.wait_indirect_dma semaphore(%arg13 : memref<!tpu.dma_semaphore, #tpu.memory_space<semaphore_mem>>) src(%dma_wait3A_49 : memref<128x128xf32, #tpu.memory_space<vmem>>) dst(%dma_wait3A_55 : memref<10240x128xf32, #tpu.memory_space<vmem_shared>>)
    %barrier3A_56 = arith.constant 0 : index
    tpu.barrier barrier_id(%barrier3A_56)
    "tpu.region"() ({
      %run_scoped3A = tpu.sem_alloc : memref<!tpu.dma_semaphore, #tpu.memory_space<semaphore_mem>>
      %dma_start3A_57 = arith.constant 0 : i32
      %dma_start3A_58 = tpu.memref_slice %arg5[%arg0, %mul3A_2, %dma_start3A_57] : memref<2x10240x128xf32, #tpu.memory_space<hbm>> -> memref<1x640x128xf32, #tpu.memory_space<hbm>>
      %dma_start3A_59 = tpu.memref_squeeze %dma_start3A_58 : memref<1x640x128xf32, #tpu.memory_space<hbm>> -> memref<640x128xf32, #tpu.memory_space<hbm>>
      %dma_start3A_60 = arith.constant 0 : i32
      %dma_start3A_61 = tpu.memref_slice %arg9[%mul3A_2, %dma_start3A_60] : memref<10240x128xf32, #tpu.memory_space<vmem_shared>> -> memref<640x128xf32, #tpu.memory_space<vmem_shared>>
      tpu.enqueue_dma source(%dma_start3A_61 : memref<640x128xf32, #tpu.memory_space<vmem_shared>>) target(%dma_start3A_59 : memref<640x128xf32, #tpu.memory_space<hbm>>) target_semaphore(%run_scoped3A : memref<!tpu.dma_semaphore, #tpu.memory_space<semaphore_mem>>)
      %dma_wait3A_62 = arith.constant 0 : i32
      %dma_wait3A_63 = tpu.memref_slice %arg5[%arg0, %mul3A_2, %dma_wait3A_62] : memref<2x10240x128xf32, #tpu.memory_space<hbm>> -> memref<1x640x128xf32, #tpu.memory_space<hbm>>
      %dma_wait3A_64 = tpu.memref_squeeze %dma_wait3A_63 : memref<1x640x128xf32, #tpu.memory_space<hbm>> -> memref<640x128xf32, #tpu.memory_space<hbm>>
      %dma_wait3A_65 = arith.constant 0 : i32
      %dma_wait3A_66 = tpu.memref_slice %arg9[%mul3A_2, %dma_wait3A_65] : memref<10240x128xf32, #tpu.memory_space<vmem_shared>> -> memref<640x128xf32, #tpu.memory_space<vmem_shared>>
      tpu.wait_dma2 semaphore(%run_scoped3A : memref<!tpu.dma_semaphore, #tpu.memory_space<semaphore_mem>>) src(%dma_wait3A_66 : memref<640x128xf32, #tpu.memory_space<vmem_shared>>) dst(%dma_wait3A_64 : memref<640x128xf32, #tpu.memory_space<hbm>>)
      tpu.yield
    }) : () -> ()
    return
  }
}

module attributes {stable_mosaic.version = 14 : i64} {
  func.func @_final_body(%arg0: i32, %arg1: memref<2x1000x128xf32, #tpu.memory_space<vmem>>, %arg2: memref<1000x128xf32, #tpu.memory_space<vmem>>, %arg3: memref<1000x1xf32, #tpu.memory_space<vmem>>, %arg4: memref<128x128xf32, #tpu.memory_space<vmem>>, %arg5: memref<1x128xf32, #tpu.memory_space<vmem>>, %arg6: memref<1000x128xf32, #tpu.memory_space<vmem>>) attributes {dimension_semantics = [#tpu.dimension_semantics<arbitrary>], iteration_bounds = array<i64: 10>, scalar_prefetch = 0 : i64, scratch_operands = 0 : i64, tpu.core_type = #tpu.core_type<tc>, window_params = [{transform_indices = @transform_0, window_bounds = array<i64: 2, 1000, 128>}, {transform_indices = @transform_1, window_bounds = array<i64: 1000, 128>}, {transform_indices = @transform_2, window_bounds = array<i64: 1000, 1>}, {pipeline_mode = #tpu.pipeline_mode<synchronous>, transform_indices = @transform_3, window_bounds = array<i64: 128, 128>}, {pipeline_mode = #tpu.pipeline_mode<synchronous>, transform_indices = @transform_4, window_bounds = array<i64: 1, 128>}, {transform_indices = @transform_5, window_bounds = array<i64: 1000, 128>}]} {
    %get3A = arith.constant 0 : index
    %get3A_0 = arith.constant 0 : index
    %get3A_1 = arith.constant 0 : index
    %get3A_2 = vector.load %arg1[%get3A, %get3A_0, %get3A_1] : memref<2x1000x128xf32, #tpu.memory_space<vmem>>, vector<1x1000x128xf32>
    %get3A_3 = vector.shape_cast %get3A_2 : vector<1x1000x128xf32> to vector<1000x128xf32>
    %get3A_4 = arith.constant 1 : index
    %get3A_5 = arith.constant 0 : index
    %get3A_6 = arith.constant 0 : index
    %get3A_7 = vector.load %arg1[%get3A_4, %get3A_5, %get3A_6] : memref<2x1000x128xf32, #tpu.memory_space<vmem>>, vector<1x1000x128xf32>
    %get3A_8 = vector.shape_cast %get3A_7 : vector<1x1000x128xf32> to vector<1000x128xf32>
    %add3A = arith.addf %get3A_3, %get3A_8 : vector<1000x128xf32>
    %get3A_9 = arith.constant 0 : index
    %get3A_10 = arith.constant 0 : index
    %get3A_11 = vector.load %arg2[%get3A_9, %get3A_10] : memref<1000x128xf32, #tpu.memory_space<vmem>>, vector<1000x128xf32>
    %add3A_12 = arith.addf %add3A, %get3A_11 : vector<1000x128xf32>
    %get3A_13 = arith.constant 0 : index
    %get3A_14 = arith.constant 0 : index
    %get3A_15 = vector.load %arg3[%get3A_13, %get3A_14] : memref<1000x1xf32, #tpu.memory_space<vmem>>, vector<1000x1xf32>
    %mul3A = vector.broadcast %get3A_15 : vector<1000x1xf32> to vector<1000x128xf32>
    %mul3A_16 = arith.mulf %add3A_12, %mul3A : vector<1000x128xf32>
    %get3A_17 = arith.constant 0 : index
    %get3A_18 = arith.constant 0 : index
    %get3A_19 = vector.load %arg4[%get3A_17, %get3A_18] : memref<128x128xf32, #tpu.memory_space<vmem>>, vector<128x128xf32>
    %dot_general3A = arith.constant dense<0.000000e+00> : vector<1000x128xf32>
    %dot_general3A_20 = tpu.matmul %mul3A_16, %get3A_19, %dot_general3A {dimension_numbers = #tpu.dot_dimension_numbers<[1], [0], [0], [1], [0, 0, 1, 1], [], []>, transpose_lhs_hint = false} : vector<1000x128xf32>, vector<128x128xf32>, vector<1000x128xf32> -> vector<1000x128xf32>
    %get3A_21 = arith.constant 0 : index
    %get3A_22 = arith.constant 0 : index
    %get3A_23 = vector.load %arg5[%get3A_21, %get3A_22] : memref<1x128xf32, #tpu.memory_space<vmem>>, vector<1x128xf32>
    %add3A_24 = vector.broadcast %get3A_23 : vector<1x128xf32> to vector<1000x128xf32>
    %add3A_25 = arith.addf %dot_general3A_20, %add3A_24 : vector<1000x128xf32>
    %swap3A = arith.constant 0 : index
    %swap3A_26 = arith.constant 0 : index
    %swap3A_27 = vector.load %arg6[%swap3A, %swap3A_26] : memref<1000x128xf32, #tpu.memory_space<vmem>>, vector<1000x128xf32>
    tpu.vector_store %arg6[%swap3A, %swap3A_26], %add3A_25 {strides = array<i32>} : memref<1000x128xf32, #tpu.memory_space<vmem>>, vector<1000x128xf32>,
    return
  }
  func.func @transform_0(%arg0: i32) -> (i32, i32, i32) {
    %c0_i32 = arith.constant 0 : i32
    %c0_i32_0 = arith.constant 0 : i32
    %c0_i32_1 = arith.constant 0 : i32
    return %c0_i32, %arg0, %c0_i32_0 : i32, i32, i32
  }
  func.func @transform_1(%arg0: i32) -> (i32, i32) {
    %c0_i32 = arith.constant 0 : i32
    %c0_i32_0 = arith.constant 0 : i32
    return %arg0, %c0_i32 : i32, i32
  }
  func.func @transform_2(%arg0: i32) -> (i32, i32) {
    %c0_i32 = arith.constant 0 : i32
    %c0_i32_0 = arith.constant 0 : i32
    return %arg0, %c0_i32 : i32, i32
  }
  func.func @transform_3(%arg0: i32) -> (i32, i32) {
    %c0_i32 = arith.constant 0 : i32
    %c0_i32_0 = arith.constant 0 : i32
    %c0_i32_1 = arith.constant 0 : i32
    return %c0_i32, %c0_i32_0 : i32, i32
  }
  func.func @transform_4(%arg0: i32) -> (i32, i32) {
    %c0_i32 = arith.constant 0 : i32
    %c0_i32_0 = arith.constant 0 : i32
    %c0_i32_1 = arith.constant 0 : i32
    return %c0_i32, %c0_i32_0 : i32, i32
  }
  func.func @transform_5(%arg0: i32) -> (i32, i32) {
    %c0_i32 = arith.constant 0 : i32
    %c0_i32_0 = arith.constant 0 : i32
    return %arg0, %c0_i32 : i32, i32
  }
}

</mosaic_0001>

<sc_bundles>
// kernel: kernel.5.cloned.1.call-start
scs
__scs_entry_jumppad:
0x0: {  	(pc) =	sbr.rel $0x88, $3  }
0x1: {  	(tag) =	ssettag $0x0;
	lr =	simm.s32 $0x1  }
0x2: {  	[smem:$0x3F9D] =	sst lr;
	_ =	strace $0xD0000000  }
0x3: {  	_ = 	snop  }
0x4: {  	_ = 	snop  }
0x5: {  	_ = 	snop  }
0x6: {  	_ = 	snop  }
0x7: {  	_ = 	snop  }
__scs_overlays_trampoline_lowered:
0x8: {  	[smem:$0x3FAC] =	sst s0  }
0x9: {  	[smem:$0x3FAD] =	sst s1  }
0xa: {  	[smem:$0x3FAE] =	sst s2  }
0xb: {  	[smem:$0x3FAF] =	sst s3  }
0xc: {  	[smem:$0x3FB0] =	sst s4  }
0xd: {  	[smem:$0x3FB1] =	sst s5  }
0xe: {  	[smem:$0x3FB2] =	sst s6  }
0xf: {  	[smem:$0x3FB3] =	sst s7  }
0x10: {  	[smem:$0x3FB4] =	sst s8  }
0x11: {  	[smem:$0x3FB5] =	sst s9;
	s0 =	simm.s32 @!p0 $0x0  }
0x12: {  	s1 =	sld [smem:$0x3F9B];
	s0 =	simm.s32 @p0 $0x1  }
0x13: {  	[smem:$0x3FB6] =	sst s0;
	s0 =	simm.s32 @!p1 $0x0  }
0x14: {  	s2 =	sld [smem:$0x3F9A];
	s0 =	simm.s32 @p1 $0x1  }
0x15: {  	[smem:$0x3FB7] =	sst s0;
	s0 =	simm.s32 @!p2 $0x0  }
0x16: {  	s3 =	sld [smem:$0x3FDB];
	s0 =	simm.s32 @p2 $0x1  }
0x17: {  	s4 =	simm.s32 $0x1BF5;
	[smem:$0x3FB9] =	sst s0  }
0x18: {  	s0 =	sld [smem:$0x3F9C];
	_ =	swait.ge [sflag:s4], $0x0  }
0x19: {  	s7 =	sld [smem:$0x3F9D]  }
0x1a: {  	s8 =	sadd.s32 $0xFFFFE003, lr  }
0x1b: {  	s9 =	sadd.s32 $0xFFFFFEF7, lr;
	s5 =	simm.s32 $0xFFFFFFFF;
	p2 =	slt.u32 s8, $0xFFFFF086  }
0x1c: {  	p1 =	slt.u32 s9, $0xF7A;
	s5 =	simm.s32 @!p2 $0x0  }
0x1d: {  	s5 =	simm.s32 @p1 $0x1;
	p0 =	seq.s32 s7, s2  }
0x1e: {  	s7 =	smul.u32 @!p0 $0xF7A, s2;
	p2 =	seq.s32 @!p0 s5, $0x0  }
0x1f: {  	s9 =	smul.u32 $0xF7A, s1;
	s8 =	simm.s32 @!p0 $0x1BF5;
	p2 =	por !p2, p0  }
0x20: {  	[sflag:s8] =	ssyncset.s32 @!p0 $0xFFFFF086;
	s6 =	sadd.s32 @!p0 s3, s7;
	s7 =	simm.s32 @!p0 $0x108  }
0x21: {  	s3 =	sadd.s32 s3, s9;
	s6 =	sadd.s32 @!p0 $0x88, s6;
	s7 =	simm.s32 @p2 $0x1082  }
0x22: {  	[simem:s7], [sflag:s8] =	dma.local @!p0 [hbm:s6], $0xF7A  }
0x23: {  	s9 =	sor.u32 $0xD0000000, s2;
	s6 =	simm.s32 $0x108;
	_ =	swait.ge @!p0 [sflag:s8], $0x0  }
0x24: {  	s3 =	sadd.s32 $0x88, s3;
	s6 =	simm.s32 @!p1 $0x1082;
	[sflag:s4] =	ssyncset.s32 $0xFFFFF086  }
0x25: {  	[simem:s6], [sflag:s4] =	dma.local [hbm:s3], $0xF7A  }
0x26: {  	[smem:$0x3F9D] =	sst s1;
	(tag) =	ssettag s2;
	_ =	strace s9  }
0x27: {  	s1 =	sld [smem:$0x3FAD]  }
0x28: {  	s2 =	sld [smem:$0x3FAE]  }
0x29: {  	s4 =	sld [smem:$0x3FB0]  }
0x2a: {  	p0 =	seq.s32 s5, $0x0;
	s5 =	sld [smem:$0x3FB1]  }
0x2b: {  	s6 =	sld [smem:$0x3FB2]  }
0x2c: {  	s7 =	sld [smem:$0x3FB3]  }
0x2d: {  	s3 =	simm.s32 $0x108;
	s8 =	sld [smem:$0x3FB4]  }
0x2e: {  	s3 =	simm.s32 @!p0 $0x1082;
	s9 =	sld [smem:$0x3FB5]  }
0x2f: {  	lr =	sadd.s32 s0, s3;
	s0 =	sld [smem:$0x3FAC]  }
0x30: {  	s3 =	sld [smem:$0x3FAF]  }
0x31: {  	[smem:$0x3FB8] =	sst s10  }
0x32: {  	s10 =	sld [smem:$0x3FB6];
	_ =	sdelay $0x3  }
0x33: {  	p0 =	seq.s32 s10, $0x1;
	s10 =	sld [smem:$0x3FB8];
	_ =	sdelay $0x3  }
0x34: {  	[smem:$0x3FB8] =	sst s10  }
0x35: {  	s10 =	sld [smem:$0x3FB7];
	_ =	sdelay $0x3  }
0x36: {  	p1 =	seq.s32 s10, $0x1;
	s10 =	sld [smem:$0x3FB8];
	_ =	sdelay $0x3  }
0x37: {  	[smem:$0x3FB8] =	sst s10  }
0x38: {  	s10 =	sld [smem:$0x3FB9]  }
0x39: {  	_ = 	snop;
	(pc) =	sbr.ind lr, $3  }
0x3a: {  	_ = 	snop  }
0x3b: {  	_ = 	snop  }
0x3c: {  	p2 =	seq.s32 s10, $0x1;
	s10 =	sld [smem:$0x3FB8]  }
0x3d: {  	_ =	shalt  }
0x3e: {  	_ =	shalt  }
0x3f: {  	_ =	shalt  }
0x40: {  	_ =	shalt  }
0x41: {  	_ =	shalt  }
0x42: {  	_ =	shalt  }
0x43: {  	_ =	shalt  }
0x44: {  	_ =	shalt  }
0x45: {  	_ =	shalt  }
0x46: {  	_ =	shalt  }
0x47: {  	_ =	shalt  }
0x48: {  	_ =	shalt  }
0x49: {  	_ =	shalt  }
0x4a: {  	_ =	shalt  }
0x4b: {  	_ =	shalt  }
0x4c: {  	_ =	shalt  }
0x4d: {  	_ =	shalt  }
0x4e: {  	_ =	shalt  }
0x4f: {  	_ =	shalt  }
0x50: {  	_ =	shalt  }
0x51: {  	_ =	shalt  }
0x52: {  	_ =	shalt  }
0x53: {  	_ =	shalt  }
0x54: {  	_ =	shalt  }
0x55: {  	_ =	shalt  }
0x56: {  	_ =	shalt  }
0x57: {  	_ =	shalt  }
0x58: {  	_ =	shalt  }
0x59: {  	_ =	shalt  }
0x5a: {  	_ =	shalt  }
0x5b: {  	_ =	shalt  }
0x5c: {  	_ =	shalt  }
0x5d: {  	_ =	shalt  }
0x5e: {  	_ =	shalt  }
0x5f: {  	_ =	shalt  }
0x60: {  	_ =	shalt  }
0x61: {  	_ =	shalt  }
0x62: {  	_ =	shalt  }
0x63: {  	_ =	shalt  }
0x64: {  	_ =	shalt  }
0x65: {  	_ =	shalt  }
0x66: {  	_ =	shalt  }
0x67: {  	_ =	shalt  }
0x68: {  	_ =	shalt  }
0x69: {  	_ =	shalt  }
0x6a: {  	_ =	shalt  }
0x6b: {  	_ =	shalt  }
0x6c: {  	_ =	shalt  }
0x6d: {  	_ =	shalt  }
0x6e: {  	_ =	shalt  }
0x6f: {  	_ =	shalt  }
0x70: {  	_ =	shalt  }
0x71: {  	_ =	shalt  }
0x72: {  	_ =	shalt  }
0x73: {  	_ =	shalt  }
0x74: {  	_ =	shalt  }
0x75: {  	_ =	shalt  }
0x76: {  	_ =	shalt  }
0x77: {  	_ =	shalt  }
0x78: {  	_ =	shalt  }
0x79: {  	_ =	shalt  }
0x7a: {  	_ =	shalt  }
0x7b: {  	_ =	shalt  }
0x7c: {  	_ =	shalt  }
0x7d: {  	_ =	shalt  }
0x7e: {  	_ =	shalt  }
0x7f: {  	_ =	shalt  }
0x80: {  	_ =	shalt  }
0x81: {  	_ =	shalt  }
0x82: {  	_ =	shalt  }
0x83: {  	_ =	shalt  }
0x84: {  	_ =	shalt  }
0x85: {  	_ =	shalt  }
0x86: {  	_ =	shalt  }
0x87: {  	_ =	shalt  }
.Lfunc_end0:
.L_simem_size_0:
called_computation_lowered:
.L_overlay_start_0:
0x88: {  	s2 =	sld [smem:$0x3FD9]  }
0x89: {  	s3 =	sld [smem:$0x3FFE];
	_ =	sdelay $0x1  }
0x8a: {  	s1 =	srdreg.scid  }
0x8b: {  	s0 =	sand.u32 $0x1, s1  }
0x8c: {  	s17 =	sshll.u32 s0, $0xA;
	s2 =	sadd.s32 s3, s2  }
0x8d: {  	s2 =	sadd.s32 s2, s17  }
0x8e: {  	[smem:$0x3FC4] =	sst s2  }
0x8f: {  	_ = 	snop  }
0x90: {  	s2 =	sld [smem:$0x3FC9]  }
0x91: {  	s18 =	sld [smem:$0x3FD0];
	(tm) =	ssettm $0x1  }
0x92: {  	s4 =	sld [smem:$0x3FFB];
	_ =	sdelay $0x3  }
0x93: {  	_ =	strace s4  }
0x94: {  	s4 =	sld [smem:$0x3FFC];
	_ =	sdelay $0x3  }
0x95: {  	_ =	strace s4  }
0x96: {  	s4 =	sld [smem:$0x3FFD];
	_ =	sdelay $0x3  }
0x97: {  	_ =	strace s4  }
0x98: {  	_ =	strace $0x8FFFFFFF  }
0x99: {  	s19 =	sld [smem:$0x3FDB];
	_ =	sdelay $0x1  }
0x9a: {  	s5 =	simm.s32 $_scs_section_size  }
0x9b: {  	s6 =	simm.s32 $_size__tile_overlayer_lowered;
	s7 =	simm.s32 $_tile_overlayer_lowered  }
0x9c: {  	s22 =	simm.s32 $0x1BFF;
	s21 =	sshll.u32 s7, $0x1;
	s4 =	sadd.s32 s5, s19  }
0x9d: {  	s8 =	simm.s32 $0x0;
	s20 =	sshll.u32 s6, $0x1;
	s6 =	sadd.s32 s21, s4  }
0x9e: {  	[timem:s8], [sflag:s22] =	dma.local [hbm:s6], s20  }
0x9f: {  	_ =	swait.ge [sflag:s22], s20  }
0xa0: {  	s5 =	ssub.s32 $0x0, s20;
	[sflag:s22] =	ssyncset.done $0x0  }
0xa1: {  	[sflag:s22] =	ssyncadd.s32 s5;
	_ =	sdelay $0x1  }
0xa2: {  	s23 =	simm.s32 $0x1B8B  }
0xa3: {  	_ =	swait.ge [sflag:s23], $0x1  }
0xa4: {  	[sflag:s23] =	ssyncset.done $0x0  }
0xa5: {  	s25 =	simm.s32 $0x1B8E;
	s24 =	sld [smem:$0x3FFE];
	[sflag:s23] =	ssyncadd.s32 $0xFFFFFFFF  }
0xa6: {  	s26 =	simm.s32 $execute0_lowered;
	[smem:$0x3FD2] =	sst s25  }
0xa7: {  	s6 =	sshll.u32 s26, $0x1;
	_ =	strace $0x80000046;
	[dreg:$0x1] =	wrdreg $0xFFFFFFFF  }
0xa8: {  	s28 =	simm.s32 $_size_execute0_lowered;
	s4 =	sadd.s32 s4, s6;
	[dreg:$0x0] =	wrdreg $0x0  }
0xa9: {  	s6 =	sshll.u32 s28, $0x1;
	[dreg:$0x2] =	wrdreg s4  }
0xaa: {  	[dreg:$0x3] =	wrdreg s6  }
0xab: {  	[dreg:$0x4] =	wrdreg $0xC0  }
0xac: {  	_ =	task [dreg:s8], $0x5FFFF  }
0xad: {  	[dreg:$0x1] =	wrdreg $0xFFFFFFFF  }
0xae: {  	[dreg:$0x0] =	wrdreg $0x60  }
0xaf: {  	[dreg:$0x2] =	wrdreg s2  }
0xb0: {  	[dreg:$0x3] =	wrdreg s24  }
0xb1: {  	[dreg:$0x4] =	wrdreg s18  }
0xb2: {  	[dreg:$0x5] =	wrdreg $0x123800  }
0xb3: {  	[dreg:$0x6] =	wrdreg $0x9  }
0xb4: {  	_ =	task.clear_ibuf [dreg:s8], $0x7FFFF;
	_ =	strace $0x90000046  }
0xb5: {  	s29 =	simm.s32 $0x9;
	_ =	strace $0x80000048  }
0xb6: {  	_ =	swait.ge [sflag:s29], $0x1  }
0xb7: {  	[sflag:s29] =	ssyncadd.s32 $0xFFFFFFFF  }
0xb8: {  	_ =	strace $0x90000048  }
0xb9: {  	_ =	sfence  }
0xba: {  	s30 =	sld [smem:$0x0];
	_ =	sdelay $0x2  }
0xbb: {  	s31 =	sshll.u32 s1, $0xD;
	s1 =	sshrl.u32 s1, $0x2  }
0xbc: {  	s3 =	sand.u32 $0x4000, s31;
	s1 =	sadd.s32 s1, s30  }
0xbd: {  	s0 =	sor.u32 s3, s0;
	s1 =	sshll.u32 s1, $0x11  }
0xbe: {  	s0 =	sor.u32 s1, s0  }
0xbf: {  	s0 =	sadd.s32 $0x8F2B, s0  }
0xc0: {  	[sflag:s0] =	ssyncadd.remote.s32 $0x1  }
0xc1: {  	_ =	sfence.sel $0xFFFF  }
0xc2: {  	[dreg:$0x0] =	wrdreg $0xFFFFFFFF;
	(pc) =	sbr.abs _section_cstart, $3  }
0xc3: {  	[dreg:$0x1] =	wrdreg $0xFFFFFFFF  }
0xc4: {  	_ =	task.clear_ibuf [dreg:s8], $0x2FFFF;
	_ =	strace $0x9FFFFFFF  }
0xc5: {  	(tm) =	ssettm $0x7FFFFFFF  }
tec
execute0_lowered:
.L_overlay_start_1:
0x0: {  	(tag) =	ssettag $0x1  }
0x1: {  	s6 =	rddreg [dreg:$0x0]  }
0x2: {  	s4 =	rddreg [dreg:$0x1]  }
0x3: {  	s9 =	rddreg [dreg:$0x2]  }
0x4: {  	s2 =	rddreg [dreg:$0x3]  }
0x5: {  	s0 =	rddreg [dreg:$0x4];
	s1 =	stileid.u32  }
0x6: {  	s5 =	srdreg.scid;
	s3 =	simm.s32 $0x0;
	s13 =	simm.s32 $0x50  }
0x7: {  	s14 =	simm.s32 $0x8000;
	s15 =	simm.s32 $0x8380;
	s16 =	simm.s32 $0x1  }
0x8: {  	s7 =	smul.u32 $0x280, s1;
	s17 =	sand.u32 $0x1, s5;
	[smem:$0x7FF] =	sst s3  }
0x9: {  	s30 =	sshll.u32 s1, $0xC;
	s8 =	smul.u32 $0x140, s17;
	_ =	strace $0x80000047  }
0xa: {  	s5 =	sadd.s32 s30, s4;
	s11 =	ssub.s32 $0x2, s17;
	p0 =	sne.s32 s17, $0x0  }
0xb: {  	s17 =	simm.s32 $0x0;
	s10 =	sshrl.u32 s7, $0x3;
	s31 =	sshrl.u32 s11, $0x1  }
0xc: {  	s8 =	sadd.s32 s8, s7;
	s10 =	sadd.s32 s10, s4;
	s11 =	ssub.s32 s11, s31  }
0xd: {  	s4 =	sadd.s32 $0xE00, s5;
	s5 =	sadd.s32 s7, s2;
	s8 =	smin.u32 s8, $0x25D0  }
0xe: {  	s12 =	sshll.u32 s8, $0x4;
	s8 =	ssub.s32 s8, s7;
	s7 =	sadd.s32 $0x10E00, s10  }
0xf: {  	s10 =	smax.u32 s11, $0x1;
	s11 =	simm.s32 $0x2;
	s6 =	sadd.s32 s6, s12  }
0x10: {  	v0 =	vimm.f32 $0.0e+00;
	v1 =	vimm.f32 $1.000000000e+00;
	s8 =	sadd.s32 $0x8080, s8;
	s9 =	sadd.s32 s9, s12;
	s12 =	simm.s32 $0x8080  }
.LBB2_1:
0x11: {  	[tilespmem:$0x8080] =	vst v0  }
0x12: {  	[tilespmem:$0x8090] =	vst v0  }
0x13: {  	[tilespmem:$0x80A0] =	vst v0  }
0x14: {  	[tilespmem:$0x80B0] =	vst v0  }
0x15: {  	[tilespmem:$0x80C0] =	vst v0  }
0x16: {  	[tilespmem:$0x80D0] =	vst v0  }
0x17: {  	[tilespmem:$0x80E0] =	vst v0  }
0x18: {  	[tilespmem:$0x80F0] =	vst v0  }
0x19: {  	[tilespmem:$0x8100] =	vst v0  }
0x1a: {  	[tilespmem:$0x8110] =	vst v0  }
0x1b: {  	[tilespmem:$0x8120] =	vst v0  }
0x1c: {  	[tilespmem:$0x8130] =	vst v0  }
0x1d: {  	[tilespmem:$0x8140] =	vst v0  }
0x1e: {  	[tilespmem:$0x8150] =	vst v0  }
0x1f: {  	[tilespmem:$0x8160] =	vst v0  }
0x20: {  	[tilespmem:$0x8170] =	vst v0  }
0x21: {  	[tilespmem:$0x8180] =	vst v0  }
0x22: {  	[tilespmem:$0x8190] =	vst v0  }
0x23: {  	[tilespmem:$0x81A0] =	vst v0  }
0x24: {  	[tilespmem:$0x81B0] =	vst v0  }
0x25: {  	[tilespmem:$0x81C0] =	vst v0  }
0x26: {  	[tilespmem:$0x81D0] =	vst v0  }
0x27: {  	[tilespmem:$0x81E0] =	vst v0  }
0x28: {  	[tilespmem:$0x81F0] =	vst v0  }
0x29: {  	[tilespmem:$0x8200] =	vst v0  }
0x2a: {  	[tilespmem:$0x8210] =	vst v0  }
0x2b: {  	[tilespmem:$0x8220] =	vst v0  }
0x2c: {  	[tilespmem:$0x8230] =	vst v0  }
0x2d: {  	[tilespmem:$0x8240] =	vst v0  }
0x2e: {  	[tilespmem:$0x8250] =	vst v0  }
0x2f: {  	[tilespmem:$0x8260] =	vst v0  }
0x30: {  	[tilespmem:$0x8270] =	vst v0  }
0x31: {  	[tilespmem:$0x8280] =	vst v0  }
0x32: {  	[tilespmem:$0x8290] =	vst v0  }
0x33: {  	[tilespmem:$0x82A0] =	vst v0  }
0x34: {  	[tilespmem:$0x82B0] =	vst v0  }
0x35: {  	[tilespmem:$0x82C0] =	vst v0  }
0x36: {  	[tilespmem:$0x82D0] =	vst v0  }
0x37: {  	[tilespmem:$0x82E0] =	vst v0  }
0x38: {  	[tilespmem:$0x82F0] =	vst v0  }
0x39: {  	[tilespmem:$0x8300] =	vst v0  }
0x3a: {  	[tilespmem:$0x8000] =	vst v1  }
0x3b: {  	[tilespmem:$0x8010] =	vst v1  }
0x3c: {  	[tilespmem:$0x8020] =	vst v1  }
0x3d: {  	[tilespmem:$0x8030] =	vst v1  }
0x3e: {  	[tilespmem:$0x8040] =	vst v1  }
0x3f: {  	[tilespmem:s3], [sflag:$0x2] =	stream.linear.gather [hbm4b:s4+s3], $0x7D00, $0x38;
	[tilespmem:$0x12600] =	vst v63  }
0x40: {  	_ =	swait.ge [sflag:s11], $0x7D00  }
0x41: {  	[sflag:s11] =	ssyncset.done $0x0  }
0x42: {  	[sflag:s11] =	ssyncadd.s32 $0xFFFF8300  }
0x43: {  	[spmem:s5] =	stream.linear.scatter [tilespmem:s12], [sflag:$0x2], $0x280, $0x38;
	[tilespmem:$0x12600] =	vst v63  }
0x44: {  	_ =	swait.ge [sflag:s11], $0x280  }
0x45: {  	[sflag:s11] =	ssyncset.done $0x0  }
0x46: {  	[sflag:s11] =	ssyncadd.s32 $0xFFFFFD80  }
0x47: {  	s18 =	simm.s32 $0x200;
	s19 =	simm.s32 $0x0;
	[bflag:$0x0] =	sbarrier.arrive $0xFFFF  }
.LBB2_2:
0x48: {  	[spmem:s2] =	stream.indirect.scatter.add.f32 [tilespmem:s14], [sflag:$0x1], $0x1, s19, s13, $0xb8;
	[tilespmem:$0x12600] =	vst v63  }
0x49: {  	s19 =	smov.u32 s18;
	p1 =	sne.s32 s18, $0x1F200  }
.Ltmp0:
0x4a: {  	s18 =	sadd.s32 $0x200, s18;
	(pc) =	sbr.rel @p1 .LBB2_2-.Ltmp0, $2  }
0x4b: {  	_ =	sdelay $0x2  }
0x4c: {  	s19 =	sshra.s32 s19, $0x2  }
0x4d: {  	[spmem:s2] =	stream.indirect.scatter.add.f32 [tilespmem:s14], [sflag:$0x1], $0x1, s19, s13, $0xb8;
	[tilespmem:$0x12600] =	vst v63  }
0x4e: {  	_ = 	snop  }
0x4f: {  	[tilespmem:s15], [sflag:$0x2] =	stream.linear.gather [hbm4b:s6+s3], $0xA000, $0x38;
	[tilespmem:$0x12600] =	vst v63  }
0x50: {  	_ =	swait.ge [sflag:s11], $0xA000  }
0x51: {  	[sflag:s11] =	ssyncset.done $0x0  }
0x52: {  	[sflag:s11] =	ssyncadd.s32 $0xFFFF6000  }
0x53: {  	_ =	swait.ge [sflag:s16], $0x50  }
0x54: {  	s18 =	simm.s32 $0xF9;
	[sflag:s16] =	ssyncset.done $0x0  }
.LBB2_4:
0x55: {  	p1 =	sne.s32 s18, $0x1;
	s18 =	sadd.s32 $0xFFFFFFFF, s18;
	[sflag:s16] =	ssyncadd.s32 $0xFFFFFFB0  }
.Ltmp1:
0x56: {  	(pc) =	sbr.rel @p1 .LBB2_4-.Ltmp1, $3  }
0x57: {  	_ =	sdelay $0x1  }
0x58: {  	_ =	swait.ge [sflag:s16], $0x50  }
0x59: {  	[sflag:s16] =	ssyncset.done $0x0  }
0x5a: {  	[sflag:s16] =	ssyncadd.s32 $0xFFFFFFB0  }
0x5b: {  	[bflag:$0x0] =	sbarrier.arrive $0xFFFF  }
0x5c: {  	[tilespmem:s12], [sflag:$0x2] =	stream.linear.gather [spmem:s5], $0x280, $0x38;
	[tilespmem:$0x12600] =	vst v63  }
0x5d: {  	_ =	swait.ge [sflag:s11], $0x280  }
0x5e: {  	[sflag:s11] =	ssyncset.done $0x0  }
0x5f: {  	s18 =	simm.s32 $0x0;
	s19 =	simm.s32 $0x40;
	[sflag:s11] =	ssyncadd.s32 $0xFFFFFD80  }
.LBB2_6:
0x60: {  	p1 =	sne.s32 s19, $0x9C0;
	v2 =	vld [tilespmem:s18+$0x8080];
	_ =	sdelay $0x4  }
0x61: {  	v2 =	vadd.f32 $1.000000000e+00, v2;
	_ =	sdelay $0x1  }
0x62: {  	v3 =	vshra.s32 v2, $0x1;
	v2 =	vmul.f32 $5.000000000e-01, v2  }
0x63: {  	v3 =	vsub.s32 $0x5F3759DF, v3  }
0x64: {  	v4 =	vmul.f32 v3, v2;
	_ =	sdelay $0x1  }
0x65: {  	v4 =	vmul.f32 v3, v4;
	_ =	sdelay $0x1  }
0x66: {  	v4 =	vsub.f32 $1.500000000e+00, v4;
	_ =	sdelay $0x1  }
0x67: {  	v3 =	vmul.f32 v3, v4;
	_ =	sdelay $0x1  }
0x68: {  	v4 =	vmul.f32 v3, v2;
	_ =	sdelay $0x1  }
0x69: {  	v4 =	vmul.f32 v4, v3;
	_ =	sdelay $0x1  }
0x6a: {  	v4 =	vsub.f32 $1.500000000e+00, v4;
	_ =	sdelay $0x1  }
0x6b: {  	v3 =	vmul.f32 v4, v3;
	_ =	sdelay $0x1  }
0x6c: {  	v2 =	vmul.f32 v3, v2;
	_ =	sdelay $0x1  }
0x6d: {  	v2 =	vmul.f32 v2, v3;
	_ =	sdelay $0x1  }
.Ltmp2:
0x6e: {  	v2 =	vsub.f32 $1.500000000e+00, v2;
	(pc) =	sbr.rel @p1 .LBB2_6-.Ltmp2, $3  }
0x6f: {  	_ = 	snop  }
0x70: {  	v2 =	vmul.f32 v2, v3;
	_ =	sdelay $0x1  }
0x71: {  	[tilespmem:s18+$0x8080] =	vst v2;
	s18 =	sshra.s32 s19, $0x2;
	s19 =	sadd.s32 $0x40, s19  }
0x72: {  	v2 =	vld [tilespmem:s18+$0x8080];
	_ =	sdelay $0x4  }
0x73: {  	v2 =	vadd.f32 $1.000000000e+00, v2;
	_ =	sdelay $0x1  }
0x74: {  	v3 =	vshra.s32 v2, $0x1;
	v2 =	vmul.f32 $5.000000000e-01, v2  }
0x75: {  	v3 =	vsub.s32 $0x5F3759DF, v3  }
0x76: {  	v4 =	vmul.f32 v3, v2;
	_ =	sdelay $0x1  }
0x77: {  	v4 =	vmul.f32 v3, v4;
	_ =	sdelay $0x1  }
0x78: {  	v4 =	vsub.f32 $1.500000000e+00, v4;
	_ =	sdelay $0x1  }
0x79: {  	v3 =	vmul.f32 v3, v4;
	_ =	sdelay $0x1  }
0x7a: {  	v4 =	vmul.f32 v3, v2;
	_ =	sdelay $0x1  }
0x7b: {  	v4 =	vmul.f32 v4, v3;
	_ =	sdelay $0x1  }
0x7c: {  	v4 =	vsub.f32 $1.500000000e+00, v4;
	_ =	sdelay $0x1  }
0x7d: {  	v3 =	vmul.f32 v4, v3;
	_ =	sdelay $0x1  }
0x7e: {  	v2 =	vmul.f32 v3, v2;
	_ =	sdelay $0x1  }
0x7f: {  	v2 =	vmul.f32 v2, v3;
	_ =	sdelay $0x1  }
0x80: {  	v2 =	vsub.f32 $1.500000000e+00, v2;
	_ =	sdelay $0x1  }
0x81: {  	v2 =	vmul.f32 v2, v3;
	_ =	sdelay $0x1  }
0x82: {  	s19 =	simm.s32 @!p0 $0x8080;
	[tilespmem:s18+$0x8080] =	vst v2;
	s18 =	simm.s32 @!p0 $0x0  }
0x83: {  	[hbm4b:s7+s18] =	stream.linear.scatter @!p0 [tilespmem:s19], [sflag:$0x2], $0x280, $0x38;
	[tilespmem:$0x12600] =	vst v63  }
0x84: {  	s18 =	simm.s32 @!p0 $0x2  }
0x85: {  	_ =	swait.ge @!p0 [sflag:s18], $0x280  }
0x86: {  	[sflag:s18] =	ssyncset.done @!p0 $0x0  }
0x87: {  	[sflag:s18] =	ssyncadd.s32 @!p0 $0xFFFFFD80;
	s18 =	simm.s32 $0x83C0  }
0x88: {  	v6 =	vld [tilespmem:s18+$0x30]  }
0x89: {  	v9 =	vld [tilespmem:s18+$0x10]  }
0x8a: {  	s31 =	sadd.s32 $0x0, s8;
	v7 =	vld [tilespmem:s18+$0xFFFFFFC0]  }
0x8b: {  	v3 =	vld.msk [tilespmem:s31+$0x0 ss:$0x0], $0xffff  }
0x8c: {  	v11 =	vld [tilespmem:s18+$0xFFFFFFE0]  }
0x8d: {  	v2 =	vld [tilespmem:s18+$0xFFFFFFF0]  }
0x8e: {  	v4 =	vld [tilespmem:s18+$0x20]  }
0x8f: {  	v5 =	vld [tilespmem:s18+$0xFFFFFFD0]  }
0x90: {  	v10 =	vmul.f32 v6, v3;
	v6 =	vld [tilespmem:s18+$0x0]  }
0x91: {  	v8 =	vmul.f32 v3, v7  }
0x92: {  	s20 =	simm.s32 $0x83C0;
	s19 =	simm.s32 $0x4;
	v7 =	vmul.f32 v11, v3;
	v9 =	vmul.f32 v9, v3  }
.LBB2_8:
0x93: {  	p1 =	sne.s32 s19, $0x4FC  }
0x94: {  	v5 =	vmul.f32 v5, v3;
	v4 =	vmul.f32 v4, v3;
	[tilespmem:s18+$0x30] =	vst v10;
	s20 =	sadd.s32 $0x80, s20;
	s21 =	smov.u32 s19;
	s19 =	sadd.s32 $0x4, s19  }
0x95: {  	[tilespmem:s18+$0xFFFFFFC0] =	vst v8;
	v8 =	vmul.f32 v2, v3;
	v3 =	vmul.f32 v6, v3  }
0x96: {  	[tilespmem:s18+$0x10] =	vst v9  }
0x97: {  	[tilespmem:s18+$0xFFFFFFE0] =	vst v7  }
0x98: {  	v2 =	vld [tilespmem:s20+$0xFFFFFFF0];
	[tilespmem:s18+$0xFFFFFFF0] =	vst v8  }
0x99: {  	v7 =	vld [tilespmem:s20+$0x30];
	[tilespmem:s18+$0x0] =	vst v3  }
0x9a: {  	s21 =	sshra.s32 s21, $0x2;
	v9 =	vld [tilespmem:s20+$0x10];
	[tilespmem:s18+$0x20] =	vst v4  }
0x9b: {  	s21 =	sadd.s32 s21, s8;
	v8 =	vld [tilespmem:s20+$0xFFFFFFC0];
	[tilespmem:s18+$0xFFFFFFD0] =	vst v5;
	s18 =	smov.u32 s20  }
0x9c: {  	v3 =	vld.msk [tilespmem:s21+$0x0 ss:$0x0], $0xffff  }
0x9d: {  	v11 =	vld [tilespmem:s20+$0xFFFFFFE0]  }
0x9e: {  	v4 =	vld [tilespmem:s20+$0x20]  }
.Ltmp3:
0x9f: {  	v5 =	vld [tilespmem:s20+$0xFFFFFFD0];
	(pc) =	sbr.rel @p1 .LBB2_8-.Ltmp3, $3  }
0xa0: {  	v6 =	vld [tilespmem:s20+$0x0];
	_ =	sdelay $0x1  }
0xa1: {  	v8 =	vmul.f32 v3, v8;
	v10 =	vmul.f32 v7, v3  }
0xa2: {  	v9 =	vmul.f32 v9, v3;
	v7 =	vmul.f32 v11, v3  }
0xa3: {  	[tilespmem:s18+$0x30] =	vst v10  }
0xa4: {  	[tilespmem:s18+$0xFFFFFFC0] =	vst v8  }
0xa5: {  	v2 =	vmul.f32 v2, v3;
	[tilespmem:s18+$0x10] =	vst v9  }
0xa6: {  	v4 =	vmul.f32 v4, v3;
	[tilespmem:s18+$0xFFFFFFE0] =	vst v7  }
0xa7: {  	v6 =	vmul.f32 v6, v3;
	[tilespmem:s18+$0xFFFFFFF0] =	vst v2  }
0xa8: {  	s17 =	sadd.s32 $0x1, s17;
	v2 =	vmul.f32 v5, v3;
	[tilespmem:s18+$0x20] =	vst v4  }
0xa9: {  	p1 =	sne.s32 s17, s10;
	[tilespmem:s18+$0x0] =	vst v6  }
.Ltmp4:
0xaa: {  	[tilespmem:s18+$0xFFFFFFD0] =	vst v2;
	(pc) =	sbr.rel @p1 .LBB2_1-.Ltmp4, $4  }
0xab: {  	[hbm4b:s9+s3] =	stream.linear.scatter [tilespmem:s15], [sflag:$0x2], $0xA000, $0x38;
	[tilespmem:$0x12600] =	vst v63  }
0xac: {  	_ =	swait.ge [sflag:s11], $0xA000  }
0xad: {  	[sflag:s11] =	ssyncset.done $0x0  }
0xae: {  	[sflag:s11] =	ssyncadd.s32 $0xFFFF6000  }
0xaf: {  	_ =	sfence.sel $0x180000  }
0xb0: {  	[bflag:$0x0] =	sbarrier.arrive $0xFFFF  }
0xb1: {  	p0 =	sne.s32 s1, $0x0;
	_ =	strace $0x90000047  }
0xb2: {  	s0 =	sadd.s32 @!p0 $0x100000, s0;
	[bflag:$0x2] =	sbarrier.arrive $0xFFFF  }
0xb3: {  	[sflag:s0] =	ssyncadd.tile.s32 @!p0 $0x1;
	_ =	shalt  }
.Lfunc_end2:
_tile_overlayer_lowered:
.L_overlay_start_2:
0xb4: {  	(tag) =	ssettag $0x2  }
0xb5: {  	s0 =	rddreg [dreg:$0x0];
	s2 =	stileid.u32  }
0xb6: {  	s1 =	rddreg [dreg:$0x1];
	p0 =	sne.s32 s2, $0x0  }
0xb7: {  	s3 =	rddreg [dreg:$0x2];
	[bflag:$0x3] =	sbarrier.arrive $0xFFFF;
	s2 =	simm.s32 @!p0 $0x1C02  }
0xb8: {  	[timem:s3], [sflag:s2] =	dma.local @!p0 [hbm:s0], s1  }
0xb9: {  	s0 =	simm.s32 @!p0 $0x2  }
0xba: {  	_ =	swait.ge @!p0 [sflag:s0], s1  }
0xbb: {  	s1 =	ssub.s32 @!p0 $0x0, s1;
	[sflag:s0] =	ssyncset.done @!p0 $0x0  }
0xbc: {  	[sflag:s0] =	ssyncadd.s32 @!p0 s1  }
0xbd: {  	[bflag:$0x3] =	sbarrier.arrive $0xFFFF  }
0xbe: {  	_ =	shalt  }

// kernel: kernel.8.cloned.1.call-start
scs
__scs_entry_jumppad:
0x0: {  	(pc) =	sbr.rel $0x88, $3  }
0x1: {  	(tag) =	ssettag $0x0;
	lr =	simm.s32 $0x1  }
0x2: {  	[smem:$0x3F9D] =	sst lr;
	_ =	strace $0xD0000000  }
0x3: {  	_ = 	snop  }
0x4: {  	_ = 	snop  }
0x5: {  	_ = 	snop  }
0x6: {  	_ = 	snop  }
0x7: {  	_ = 	snop  }
__scs_overlays_trampoline_lowered:
0x8: {  	[smem:$0x3FAC] =	sst s0  }
0x9: {  	[smem:$0x3FAD] =	sst s1  }
0xa: {  	[smem:$0x3FAE] =	sst s2  }
0xb: {  	[smem:$0x3FAF] =	sst s3  }
0xc: {  	[smem:$0x3FB0] =	sst s4  }
0xd: {  	[smem:$0x3FB1] =	sst s5  }
0xe: {  	[smem:$0x3FB2] =	sst s6  }
0xf: {  	[smem:$0x3FB3] =	sst s7  }
0x10: {  	[smem:$0x3FB4] =	sst s8  }
0x11: {  	[smem:$0x3FB5] =	sst s9;
	s0 =	simm.s32 @!p0 $0x0  }
0x12: {  	s1 =	sld [smem:$0x3F9B];
	s0 =	simm.s32 @p0 $0x1  }
0x13: {  	[smem:$0x3FB6] =	sst s0;
	s0 =	simm.s32 @!p1 $0x0  }
0x14: {  	s2 =	sld [smem:$0x3F9A];
	s0 =	simm.s32 @p1 $0x1  }
0x15: {  	[smem:$0x3FB7] =	sst s0;
	s0 =	simm.s32 @!p2 $0x0  }
0x16: {  	s3 =	sld [smem:$0x3FDB];
	s0 =	simm.s32 @p2 $0x1  }
0x17: {  	s4 =	simm.s32 $0x1BF5;
	[smem:$0x3FB9] =	sst s0  }
0x18: {  	s0 =	sld [smem:$0x3F9C];
	_ =	swait.ge [sflag:s4], $0x0  }
0x19: {  	s7 =	sld [smem:$0x3F9D]  }
0x1a: {  	s8 =	sadd.s32 $0xFFFFE003, lr  }
0x1b: {  	s9 =	sadd.s32 $0xFFFFFEF7, lr;
	s5 =	simm.s32 $0xFFFFFFFF;
	p2 =	slt.u32 s8, $0xFFFFF086  }
0x1c: {  	p1 =	slt.u32 s9, $0xF7A;
	s5 =	simm.s32 @!p2 $0x0  }
0x1d: {  	s5 =	simm.s32 @p1 $0x1;
	p0 =	seq.s32 s7, s2  }
0x1e: {  	s7 =	smul.u32 @!p0 $0xF7A, s2;
	p2 =	seq.s32 @!p0 s5, $0x0  }
0x1f: {  	s9 =	smul.u32 $0xF7A, s1;
	s8 =	simm.s32 @!p0 $0x1BF5;
	p2 =	por !p2, p0  }
0x20: {  	[sflag:s8] =	ssyncset.s32 @!p0 $0xFFFFF086;
	s6 =	sadd.s32 @!p0 s3, s7;
	s7 =	simm.s32 @!p0 $0x108  }
0x21: {  	s3 =	sadd.s32 s3, s9;
	s6 =	sadd.s32 @!p0 $0x88, s6;
	s7 =	simm.s32 @p2 $0x1082  }
0x22: {  	[simem:s7], [sflag:s8] =	dma.local @!p0 [hbm:s6], $0xF7A  }
0x23: {  	s9 =	sor.u32 $0xD0000000, s2;
	s6 =	simm.s32 $0x108;
	_ =	swait.ge @!p0 [sflag:s8], $0x0  }
0x24: {  	s3 =	sadd.s32 $0x88, s3;
	s6 =	simm.s32 @!p1 $0x1082;
	[sflag:s4] =	ssyncset.s32 $0xFFFFF086  }
0x25: {  	[simem:s6], [sflag:s4] =	dma.local [hbm:s3], $0xF7A  }
0x26: {  	[smem:$0x3F9D] =	sst s1;
	(tag) =	ssettag s2;
	_ =	strace s9  }
0x27: {  	s1 =	sld [smem:$0x3FAD]  }
0x28: {  	s2 =	sld [smem:$0x3FAE]  }
0x29: {  	s4 =	sld [smem:$0x3FB0]  }
0x2a: {  	p0 =	seq.s32 s5, $0x0;
	s5 =	sld [smem:$0x3FB1]  }
0x2b: {  	s6 =	sld [smem:$0x3FB2]  }
0x2c: {  	s7 =	sld [smem:$0x3FB3]  }
0x2d: {  	s3 =	simm.s32 $0x108;
	s8 =	sld [smem:$0x3FB4]  }
0x2e: {  	s3 =	simm.s32 @!p0 $0x1082;
	s9 =	sld [smem:$0x3FB5]  }
0x2f: {  	lr =	sadd.s32 s0, s3;
	s0 =	sld [smem:$0x3FAC]  }
0x30: {  	s3 =	sld [smem:$0x3FAF]  }
0x31: {  	[smem:$0x3FB8] =	sst s10  }
0x32: {  	s10 =	sld [smem:$0x3FB6];
	_ =	sdelay $0x3  }
0x33: {  	p0 =	seq.s32 s10, $0x1;
	s10 =	sld [smem:$0x3FB8];
	_ =	sdelay $0x3  }
0x34: {  	[smem:$0x3FB8] =	sst s10  }
0x35: {  	s10 =	sld [smem:$0x3FB7];
	_ =	sdelay $0x3  }
0x36: {  	p1 =	seq.s32 s10, $0x1;
	s10 =	sld [smem:$0x3FB8];
	_ =	sdelay $0x3  }
0x37: {  	[smem:$0x3FB8] =	sst s10  }
0x38: {  	s10 =	sld [smem:$0x3FB9]  }
0x39: {  	_ = 	snop;
	(pc) =	sbr.ind lr, $3  }
0x3a: {  	_ = 	snop  }
0x3b: {  	_ = 	snop  }
0x3c: {  	p2 =	seq.s32 s10, $0x1;
	s10 =	sld [smem:$0x3FB8]  }
0x3d: {  	_ =	shalt  }
0x3e: {  	_ =	shalt  }
0x3f: {  	_ =	shalt  }
0x40: {  	_ =	shalt  }
0x41: {  	_ =	shalt  }
0x42: {  	_ =	shalt  }
0x43: {  	_ =	shalt  }
0x44: {  	_ =	shalt  }
0x45: {  	_ =	shalt  }
0x46: {  	_ =	shalt  }
0x47: {  	_ =	shalt  }
0x48: {  	_ =	shalt  }
0x49: {  	_ =	shalt  }
0x4a: {  	_ =	shalt  }
0x4b: {  	_ =	shalt  }
0x4c: {  	_ =	shalt  }
0x4d: {  	_ =	shalt  }
0x4e: {  	_ =	shalt  }
0x4f: {  	_ =	shalt  }
0x50: {  	_ =	shalt  }
0x51: {  	_ =	shalt  }
0x52: {  	_ =	shalt  }
0x53: {  	_ =	shalt  }
0x54: {  	_ =	shalt  }
0x55: {  	_ =	shalt  }
0x56: {  	_ =	shalt  }
0x57: {  	_ =	shalt  }
0x58: {  	_ =	shalt  }
0x59: {  	_ =	shalt  }
0x5a: {  	_ =	shalt  }
0x5b: {  	_ =	shalt  }
0x5c: {  	_ =	shalt  }
0x5d: {  	_ =	shalt  }
0x5e: {  	_ =	shalt  }
0x5f: {  	_ =	shalt  }
0x60: {  	_ =	shalt  }
0x61: {  	_ =	shalt  }
0x62: {  	_ =	shalt  }
0x63: {  	_ =	shalt  }
0x64: {  	_ =	shalt  }
0x65: {  	_ =	shalt  }
0x66: {  	_ =	shalt  }
0x67: {  	_ =	shalt  }
0x68: {  	_ =	shalt  }
0x69: {  	_ =	shalt  }
0x6a: {  	_ =	shalt  }
0x6b: {  	_ =	shalt  }
0x6c: {  	_ =	shalt  }
0x6d: {  	_ =	shalt  }
0x6e: {  	_ =	shalt  }
0x6f: {  	_ =	shalt  }
0x70: {  	_ =	shalt  }
0x71: {  	_ =	shalt  }
0x72: {  	_ =	shalt  }
0x73: {  	_ =	shalt  }
0x74: {  	_ =	shalt  }
0x75: {  	_ =	shalt  }
0x76: {  	_ =	shalt  }
0x77: {  	_ =	shalt  }
0x78: {  	_ =	shalt  }
0x79: {  	_ =	shalt  }
0x7a: {  	_ =	shalt  }
0x7b: {  	_ =	shalt  }
0x7c: {  	_ =	shalt  }
0x7d: {  	_ =	shalt  }
0x7e: {  	_ =	shalt  }
0x7f: {  	_ =	shalt  }
0x80: {  	_ =	shalt  }
0x81: {  	_ =	shalt  }
0x82: {  	_ =	shalt  }
0x83: {  	_ =	shalt  }
0x84: {  	_ =	shalt  }
0x85: {  	_ =	shalt  }
0x86: {  	_ =	shalt  }
0x87: {  	_ =	shalt  }
.Lfunc_end0:
.L_simem_size_0:
called_computation.1_lowered:
.L_overlay_start_0:
0x88: {  	s2 =	sld [smem:$0x3FD9]  }
0x89: {  	s3 =	sld [smem:$0x3FFE];
	_ =	sdelay $0x1  }
0x8a: {  	s1 =	srdreg.scid  }
0x8b: {  	s0 =	sand.u32 $0x1, s1  }
0x8c: {  	s17 =	sshll.u32 s0, $0xA;
	s2 =	sadd.s32 s3, s2  }
0x8d: {  	s2 =	sadd.s32 s2, s17  }
0x8e: {  	[smem:$0x3FC4] =	sst s2  }
0x8f: {  	_ = 	snop  }
0x90: {  	s2 =	sld [smem:$0x3FD0];
	(tm) =	ssettm $0x1  }
0x91: {  	s18 =	sld [smem:$0x3FFB];
	_ =	sdelay $0x3  }
0x92: {  	_ =	strace s18  }
0x93: {  	s3 =	sld [smem:$0x3FFC];
	_ =	sdelay $0x3  }
0x94: {  	_ =	strace s3  }
0x95: {  	s3 =	sld [smem:$0x3FFD];
	_ =	sdelay $0x3  }
0x96: {  	_ =	strace s3  }
0x97: {  	_ =	strace $0x8FFFFFFF  }
0x98: {  	s19 =	sld [smem:$0x3FDB];
	_ =	sdelay $0x1  }
0x99: {  	s4 =	simm.s32 $_scs_section_size  }
0x9a: {  	s5 =	simm.s32 $_size__tile_overlayer_lowered;
	s6 =	simm.s32 $_tile_overlayer_lowered  }
0x9b: {  	s22 =	simm.s32 $0x1BFF;
	s21 =	sshll.u32 s6, $0x1;
	s3 =	sadd.s32 s4, s19  }
0x9c: {  	s7 =	simm.s32 $0x0;
	s20 =	sshll.u32 s5, $0x1;
	s5 =	sadd.s32 s21, s3  }
0x9d: {  	[timem:s7], [sflag:s22] =	dma.local [hbm:s5], s20  }
0x9e: {  	_ =	swait.ge [sflag:s22], s20  }
0x9f: {  	s4 =	ssub.s32 $0x0, s20;
	[sflag:s22] =	ssyncset.done $0x0  }
0xa0: {  	[sflag:s22] =	ssyncadd.s32 s4;
	_ =	sdelay $0x1  }
0xa1: {  	s23 =	simm.s32 $0x1B8B  }
0xa2: {  	_ =	swait.ge [sflag:s23], $0x1  }
0xa3: {  	[sflag:s23] =	ssyncset.done $0x0  }
0xa4: {  	s25 =	simm.s32 $0x1B8E;
	s24 =	sld [smem:$0x3FFE];
	[sflag:s23] =	ssyncadd.s32 $0xFFFFFFFF  }
0xa5: {  	s26 =	simm.s32 $execute0_lowered;
	[smem:$0x3FD2] =	sst s25  }
0xa6: {  	s5 =	sshll.u32 s26, $0x1;
	_ =	strace $0x80000049;
	[dreg:$0x1] =	wrdreg $0xFFFFFFFF  }
0xa7: {  	s28 =	simm.s32 $_size_execute0_lowered;
	s3 =	sadd.s32 s3, s5;
	[dreg:$0x0] =	wrdreg $0x0  }
0xa8: {  	s5 =	sshll.u32 s28, $0x1;
	[dreg:$0x2] =	wrdreg s3  }
0xa9: {  	[dreg:$0x3] =	wrdreg s5  }
0xaa: {  	[dreg:$0x4] =	wrdreg $0xC0  }
0xab: {  	_ =	task [dreg:s7], $0x5FFFF  }
0xac: {  	[dreg:$0x1] =	wrdreg $0xFFFFFFFF  }
0xad: {  	[dreg:$0x0] =	wrdreg $0x60  }
0xae: {  	[dreg:$0x2] =	wrdreg s2  }
0xaf: {  	[dreg:$0x3] =	wrdreg s24  }
0xb0: {  	[dreg:$0x4] =	wrdreg $0xBC000  }
0xb1: {  	[dreg:$0x5] =	wrdreg $0x9  }
0xb2: {  	_ =	task.clear_ibuf [dreg:s7], $0x6FFFF;
	_ =	strace $0x90000049  }
0xb3: {  	s29 =	simm.s32 $0x9;
	_ =	strace $0x8000004B  }
0xb4: {  	_ =	swait.ge [sflag:s29], $0x1  }
0xb5: {  	[sflag:s29] =	ssyncadd.s32 $0xFFFFFFFF  }
0xb6: {  	_ =	strace $0x9000004B  }
0xb7: {  	_ =	sfence  }
0xb8: {  	s30 =	sld [smem:$0x0];
	_ =	sdelay $0x2  }
0xb9: {  	s31 =	sshll.u32 s1, $0xD;
	s1 =	sshrl.u32 s1, $0x2  }
0xba: {  	s3 =	sand.u32 $0x4000, s31;
	s1 =	sadd.s32 s1, s30  }
0xbb: {  	s0 =	sor.u32 s3, s0;
	s1 =	sshll.u32 s1, $0x11  }
0xbc: {  	s0 =	sor.u32 s1, s0  }
0xbd: {  	s0 =	sadd.s32 $0x8F2B, s0  }
0xbe: {  	[sflag:s0] =	ssyncadd.remote.s32 $0x1  }
0xbf: {  	_ =	sfence.sel $0xFFFF  }
0xc0: {  	[dreg:$0x0] =	wrdreg $0xFFFFFFFF;
	(pc) =	sbr.abs _section_cstart, $3  }
0xc1: {  	[dreg:$0x1] =	wrdreg $0xFFFFFFFF  }
0xc2: {  	_ =	task.clear_ibuf [dreg:s7], $0x2FFFF;
	_ =	strace $0x9FFFFFFF  }
0xc3: {  	(tm) =	ssettm $0x7FFFFFFF  }
tec
execute0_lowered:
.L_overlay_start_1:
0x0: {  	(tag) =	ssettag $0x1  }
0x1: {  	s0 =	srdreg.scid;
	s2 =	rddreg [dreg:$0x0]  }
0x2: {  	s8 =	stileid.u32;
	s5 =	rddreg [dreg:$0x1]  }
0x3: {  	s3 =	rddreg [dreg:$0x2];
	s0 =	sand.u32 $0x1, s0;
	s13 =	smul.u32 $0x50000, s8  }
0x4: {  	s1 =	sshll.u32 s0, $0x4;
	s6 =	smul.u32 $0x140000, s0;
	s0 =	ssub.s32 $0x2, s0  }
0x5: {  	s4 =	simm.s32 $0x0;
	s7 =	smul.u32 $0x14000, s8;
	s12 =	sshrl.u32 s0, $0x1  }
0x6: {  	[smem:$0x7FF] =	sst s4;
	s16 =	sshrl.u32 s13, $0x2;
	s0 =	ssub.s32 s0, s12  }
0x7: {  	s1 =	sor.u32 s8, s1;
	s8 =	sadd.s32 s16, s3;
	s0 =	smax.u32 s0, $0x1  }
0x8: {  	_ =	strace $0x8000004A;
	s17 =	sadd.s32 $0x1400, s8;
	[dreg:$0x8] =	wrdreg s0  }
0x9: {  	s28 =	simm.s32 $0x40;
	s18 =	sadd.s32 $0x2800, s8;
	[dreg:$0x9] =	wrdreg s17  }
0xa: {  	s29 =	simm.s32 $0x7C00;
	s19 =	sadd.s32 $0x3C00, s8;
	[dreg:$0xa] =	wrdreg s18  }
0xb: {  	s30 =	simm.s32 $0x9C00;
	s20 =	sadd.s32 $0x5000, s8;
	[dreg:$0xb] =	wrdreg s19  }
0xc: {  	s31 =	simm.s32 $0x3C00;
	s21 =	sadd.s32 $0x6400, s8;
	[dreg:$0xc] =	wrdreg s20  }
0xd: {  	s9 =	simm.s32 $0x1;
	s22 =	sadd.s32 $0x7800, s8;
	[dreg:$0xd] =	wrdreg s21  }
0xe: {  	s10 =	simm.s32 $0x0;
	s23 =	sadd.s32 $0x8C00, s8;
	[dreg:$0xe] =	wrdreg s22  }
0xf: {  	s1 =	smul.u32 $0x2800, s1;
	s24 =	sadd.s32 $0xA000, s8;
	[dreg:$0xf] =	wrdreg s23  }
0x10: {  	s6 =	sadd.s32 s7, s6;
	s25 =	sadd.s32 $0xB400, s8;
	[dreg:$0x10] =	wrdreg s24  }
0x11: {  	s7 =	simm.s32 $0x3;
	s26 =	sadd.s32 $0xC800, s8;
	[dreg:$0x11] =	wrdreg s25  }
0x12: {  	s6 =	sshrl.u32 s6, $0x3;
	s1 =	sshrl.u32 s1, $0x3;
	[dreg:$0x12] =	wrdreg s26  }
0x13: {  	s20 =	sadd.s32 $0xDC00, s8;
	s21 =	sadd.s32 $0xF000, s8;
	s22 =	sadd.s32 $0x10400, s8  }
0x14: {  	s23 =	sadd.s32 $0x11800, s8;
	s24 =	sadd.s32 $0x12C00, s8;
	s1 =	sadd.s32 s1, s5  }
0x15: {  	s25 =	simm.s32 $0x5;
	s26 =	simm.s32 $0x1400;
	s14 =	sadd.s32 $0x11400, s1  }
0x16: {  	s15 =	sadd.s32 $0x11680, s1;
	s1 =	sadd.s32 $0x1B400, s1;
	[dreg:$0x5] =	wrdreg s14  }
0x17: {  	s0 =	simm.s32 $0x5C00;
	s5 =	sadd.s32 s6, s5;
	[dreg:$0x6] =	wrdreg s1  }
0x18: {  	s6 =	simm.s32 $0x4;
	s5 =	sadd.s32 $0x25400, s5;
	[dreg:$0x4] =	wrdreg s15  }
0x19: {  	v0 =	vimm.f32 $0.0e+00;
	[dreg:$0x7] =	wrdreg s5;
	s1 =	simm.s32 $0x80;
	s5 =	simm.s32 $0x2  }
.LBB2_1:
0x1a: {  	s11 =	rddreg [dreg:$0x5]  }
0x1b: {  	[tilespmem:s4], [sflag:$0x5] =	stream.linear.gather [hbm4b:s11+s4], $0x1400, $0x38;
	[tilespmem:$0x1FC00] =	vst v63  }
0x1c: {  	_ =	swait.ge [sflag:s25], $0x1400  }
0x1d: {  	[sflag:s25] =	ssyncset.done $0x0  }
0x1e: {  	s18 =	rddreg [dreg:$0x6];
	[sflag:s25] =	ssyncadd.s32 $0xFFFFEC00  }
0x1f: {  	[tilespmem:s26], [sflag:$0x5] =	stream.linear.gather [hbm4b:s18+s4], $0x2780, $0x38;
	[tilespmem:$0x1FC00] =	vst v63  }
0x20: {  	_ =	swait.ge [sflag:s25], $0x2780  }
0x21: {  	s19 =	sand.u32 $0x7E00, s4;
	[sflag:s25] =	ssyncset.done $0x0  }
0x22: {  	s12 =	sand.u32 $0x70, s4;
	s13 =	sshrl.u32 s19, $0x2;
	[sflag:s25] =	ssyncadd.s32 $0xFFFFD880  }
0x23: {  	[tilespmem:s29], [sflag:$0x2] =	stream.indirect.gather [hbm4b:s2+s28], $0x80, s4, s28, $0xb8;
	[tilespmem:$0x1FC00] =	vst v63  }
0x24: {  	s11 =	simm.s32 $0x40;
	s13 =	sor.u32 s12, s13;
	s12 =	simm.s32 $0x0  }
0x25: {  	[tilespmem:s30], [sflag:$0x2] =	stream.indirect.gather [hbm4b:s2+s28], $0x80, s28, s28, $0xb8;
	[tilespmem:$0x1FC00] =	vst v63  }
.LBB2_2:
0x26: {  	p0 =	sne.s32 s11, $0x4FC0  }
0x27: {  	[tilespmem:s13+$0x3C00] =	vst v0;
	s12 =	sadd.s32 $0x10, s12;
	s13 =	smov.u32 s11;
	s11 =	sadd.s32 $0x40, s11  }
.Ltmp0:
0x28: {  	(pc) =	sbr.rel @p0 .LBB2_2-.Ltmp0, $4  }
0x29: {  	_ = 	snop  }
0x2a: {  	s13 =	sand.u32 $0x7E00, s13  }
0x2b: {  	s14 =	sand.u32 $0x70, s12;
	s13 =	sshrl.u32 s13, $0x2  }
0x2c: {  	s13 =	sor.u32 s14, s13  }
0x2d: {  	[tilespmem:s13+$0x3C00] =	vst v0  }
0x2e: {  	[spmem:s8] =	stream.linear.scatter [tilespmem:s31], [sflag:$0x5], $0x1400, $0x38;
	[tilespmem:$0x1FC00] =	vst v63  }
0x2f: {  	_ =	swait.ge [sflag:s25], $0x1400  }
0x30: {  	[sflag:s25] =	ssyncset.done $0x0  }
0x31: {  	s11 =	rddreg [dreg:$0x9];
	[sflag:s25] =	ssyncadd.s32 $0xFFFFEC00  }
0x32: {  	[spmem:s11] =	stream.linear.scatter [tilespmem:s31], [sflag:$0x5], $0x1400, $0x38;
	[tilespmem:$0x1FC00] =	vst v63  }
0x33: {  	_ =	swait.ge [sflag:s25], $0x1400  }
0x34: {  	[sflag:s25] =	ssyncset.done $0x0  }
0x35: {  	s15 =	rddreg [dreg:$0xa];
	[sflag:s25] =	ssyncadd.s32 $0xFFFFEC00  }
0x36: {  	[spmem:s15] =	stream.linear.scatter [tilespmem:s31], [sflag:$0x5], $0x1400, $0x38;
	[tilespmem:$0x1FC00] =	vst v63  }
0x37: {  	_ =	swait.ge [sflag:s25], $0x1400  }
0x38: {  	[sflag:s25] =	ssyncset.done $0x0  }
0x39: {  	s16 =	rddreg [dreg:$0xb];
	[sflag:s25] =	ssyncadd.s32 $0xFFFFEC00  }
0x3a: {  	[spmem:s16] =	stream.linear.scatter [tilespmem:s31], [sflag:$0x5], $0x1400, $0x38;
	[tilespmem:$0x1FC00] =	vst v63  }
0x3b: {  	_ =	swait.ge [sflag:s25], $0x1400  }
0x3c: {  	[sflag:s25] =	ssyncset.done $0x0  }
0x3d: {  	s17 =	rddreg [dreg:$0xc];
	[sflag:s25] =	ssyncadd.s32 $0xFFFFEC00  }
0x3e: {  	[spmem:s17] =	stream.linear.scatter [tilespmem:s31], [sflag:$0x5], $0x1400, $0x38;
	[tilespmem:$0x1FC00] =	vst v63  }
0x3f: {  	_ =	swait.ge [sflag:s25], $0x1400  }
0x40: {  	[sflag:s25] =	ssyncset.done $0x0  }
0x41: {  	s18 =	rddreg [dreg:$0xd];
	[sflag:s25] =	ssyncadd.s32 $0xFFFFEC00  }
0x42: {  	[spmem:s18] =	stream.linear.scatter [tilespmem:s31], [sflag:$0x5], $0x1400, $0x38;
	[tilespmem:$0x1FC00] =	vst v63  }
0x43: {  	_ =	swait.ge [sflag:s25], $0x1400  }
0x44: {  	[sflag:s25] =	ssyncset.done $0x0  }
0x45: {  	s19 =	rddreg [dreg:$0xe];
	[sflag:s25] =	ssyncadd.s32 $0xFFFFEC00  }
0x46: {  	[spmem:s19] =	stream.linear.scatter [tilespmem:s31], [sflag:$0x5], $0x1400, $0x38;
	[tilespmem:$0x1FC00] =	vst v63  }
0x47: {  	_ =	swait.ge [sflag:s25], $0x1400  }
0x48: {  	[sflag:s25] =	ssyncset.done $0x0  }
0x49: {  	s12 =	rddreg [dreg:$0xf];
	[sflag:s25] =	ssyncadd.s32 $0xFFFFEC00  }
0x4a: {  	[spmem:s12] =	stream.linear.scatter [tilespmem:s31], [sflag:$0x5], $0x1400, $0x38;
	[tilespmem:$0x1FC00] =	vst v63  }
0x4b: {  	_ =	swait.ge [sflag:s25], $0x1400  }
0x4c: {  	[sflag:s25] =	ssyncset.done $0x0  }
0x4d: {  	s13 =	rddreg [dreg:$0x10];
	[sflag:s25] =	ssyncadd.s32 $0xFFFFEC00  }
0x4e: {  	[spmem:s13] =	stream.linear.scatter [tilespmem:s31], [sflag:$0x5], $0x1400, $0x38;
	[tilespmem:$0x1FC00] =	vst v63  }
0x4f: {  	_ =	swait.ge [sflag:s25], $0x1400  }
0x50: {  	[sflag:s25] =	ssyncset.done $0x0  }
0x51: {  	s14 =	rddreg [dreg:$0x11];
	[sflag:s25] =	ssyncadd.s32 $0xFFFFEC00  }
0x52: {  	[spmem:s14] =	stream.linear.scatter [tilespmem:s31], [sflag:$0x5], $0x1400, $0x38;
	[tilespmem:$0x1FC00] =	vst v63  }
0x53: {  	_ =	swait.ge [sflag:s25], $0x1400  }
0x54: {  	[sflag:s25] =	ssyncset.done $0x0  }
0x55: {  	s15 =	rddreg [dreg:$0x12];
	[sflag:s25] =	ssyncadd.s32 $0xFFFFEC00  }
0x56: {  	[spmem:s15] =	stream.linear.scatter [tilespmem:s31], [sflag:$0x5], $0x1400, $0x38;
	[tilespmem:$0x1FC00] =	vst v63  }
0x57: {  	_ =	swait.ge [sflag:s25], $0x1400  }
0x58: {  	[sflag:s25] =	ssyncset.done $0x0  }
0x59: {  	[sflag:s25] =	ssyncadd.s32 $0xFFFFEC00  }
0x5a: {  	[spmem:s20] =	stream.linear.scatter [tilespmem:s31], [sflag:$0x5], $0x1400, $0x38;
	[tilespmem:$0x1FC00] =	vst v63  }
0x5b: {  	_ =	swait.ge [sflag:s25], $0x1400  }
0x5c: {  	[sflag:s25] =	ssyncset.done $0x0  }
0x5d: {  	[sflag:s25] =	ssyncadd.s32 $0xFFFFEC00  }
0x5e: {  	[spmem:s21] =	stream.linear.scatter [tilespmem:s31], [sflag:$0x5], $0x1400, $0x38;
	[tilespmem:$0x1FC00] =	vst v63  }
0x5f: {  	_ =	swait.ge [sflag:s25], $0x1400  }
0x60: {  	[sflag:s25] =	ssyncset.done $0x0  }
0x61: {  	[sflag:s25] =	ssyncadd.s32 $0xFFFFEC00  }
0x62: {  	[spmem:s22] =	stream.linear.scatter [tilespmem:s31], [sflag:$0x5], $0x1400, $0x38;
	[tilespmem:$0x1FC00] =	vst v63  }
0x63: {  	_ =	swait.ge [sflag:s25], $0x1400  }
0x64: {  	[sflag:s25] =	ssyncset.done $0x0  }
0x65: {  	[sflag:s25] =	ssyncadd.s32 $0xFFFFEC00  }
0x66: {  	[spmem:s23] =	stream.linear.scatter [tilespmem:s31], [sflag:$0x5], $0x1400, $0x38;
	[tilespmem:$0x1FC00] =	vst v63  }
0x67: {  	_ =	swait.ge [sflag:s25], $0x1400  }
0x68: {  	[sflag:s25] =	ssyncset.done $0x0  }
0x69: {  	[sflag:s25] =	ssyncadd.s32 $0xFFFFEC00  }
0x6a: {  	[spmem:s24] =	stream.linear.scatter [tilespmem:s31], [sflag:$0x5], $0x1400, $0x38;
	[tilespmem:$0x1FC00] =	vst v63  }
0x6b: {  	_ =	swait.ge [sflag:s25], $0x1400  }
0x6c: {  	[sflag:s25] =	ssyncset.done $0x0  }
0x6d: {  	[sflag:s25] =	ssyncadd.s32 $0xFFFFEC00  }
0x6e: {  	[bflag:$0x0] =	sbarrier.arrive $0xFFFF  }
0x6f: {  	[tilespmem:s31], [sflag:$0x1] =	stream.indirect.gather [hbm4b:s2+s28], $0x80, s1, s28, $0xb8;
	[tilespmem:$0x1FC00] =	vst v63  }
0x70: {  	s16 =	simm.s32 $0xC0  }
0x71: {  	[tilespmem:s0], [sflag:$0x1] =	stream.indirect.gather [hbm4b:s2+s28], $0x80, s16, s28, $0xb8;
	[tilespmem:$0x1FC00] =	vst v63  }
0x72: {  	_ =	swait.ge [sflag:s5], $0x2000  }
0x73: {  	[sflag:s5] =	ssyncset.done $0x0  }
0x74: {  	[sflag:s5] =	ssyncadd.s32 $0xFFFFE000  }
0x75: {  	_ =	swait.ge [sflag:s5], $0x2000  }
0x76: {  	[sflag:s5] =	ssyncset.done $0x0  }
0x77: {  	[sflag:s5] =	ssyncadd.s32 $0xFFFFE000  }
0x78: {  	[spmem:s3] =	stream.indirect.scatter.add.f32 [tilespmem:s29], [sflag:$0x4], $0x80, s26, s1, $0xb8;
	[tilespmem:$0x1FC00] =	vst v63  }
0x79: {  	_ =	swait.ge [sflag:s6], $0x4000  }
0x7a: {  	[sflag:s6] =	ssyncset.done $0x0  }
0x7b: {  	s17 =	simm.s32 $0x100;
	[sflag:s6] =	ssyncadd.s32 $0xFFFFC000  }
0x7c: {  	[tilespmem:s29], [sflag:$0x2] =	stream.indirect.gather [hbm4b:s2+s28], $0x80, s17, s28, $0xb8;
	[tilespmem:$0x1FC00] =	vst v63  }
0x7d: {  	s11 =	simm.s32 $0x1;
	s18 =	simm.s32 $0x140  }
0x7e: {  	[tilespmem:s30], [sflag:$0x2] =	stream.indirect.gather [hbm4b:s2+s28], $0x80, s18, s28, $0xb8;
	[tilespmem:$0x1FC00] =	vst v63  }
0x7f: {  	_ =	swait.ge [sflag:s11], $0x2000  }
0x80: {  	[sflag:s11] =	ssyncset.done $0x0  }
0x81: {  	[sflag:s11] =	ssyncadd.s32 $0xFFFFE000  }
0x82: {  	_ =	swait.ge [sflag:s11], $0x2000  }
0x83: {  	[sflag:s11] =	ssyncset.done $0x0  }
0x84: {  	s12 =	simm.s32 $0x1480;
	[sflag:s11] =	ssyncadd.s32 $0xFFFFE000  }
0x85: {  	[spmem:s3] =	stream.indirect.scatter.add.f32 [tilespmem:s31], [sflag:$0x3], $0x80, s12, s1, $0xb8;
	[tilespmem:$0x1FC00] =	vst v63  }
0x86: {  	p0 =	por $0x1, $0x1;
	_ =	swait.ge [sflag:s7], $0x4000  }
0x87: {  	s13 =	simm.s32 $0xFFFFED80;
	s12 =	simm.s32 $0x180;
	[sflag:s7] =	ssyncset.done $0x0  }
0x88: {  	s13 =	smov.u32 @p0 s12;
	[sflag:s7] =	ssyncadd.s32 $0xFFFFC000  }
0x89: {  	[tilespmem:s31], [sflag:$0x1] =	stream.indirect.gather [hbm4b:s2+s28], $0x80, s13, s28, $0xb8;
	[tilespmem:$0x1FC00] =	vst v63  }
0x8a: {  	s12 =	sadd.s32 $0x40, s13  }
0x8b: {  	[tilespmem:s0], [sflag:$0x1] =	stream.indirect.gather [hbm4b:s2+s28], $0x80, s12, s28, $0xb8;
	[tilespmem:$0x1FC00] =	vst v63  }
0x8c: {  	_ =	swait.ge [sflag:s5], $0x2000  }
0x8d: {  	[sflag:s5] =	ssyncset.done $0x0  }
0x8e: {  	p0 =	por $0x0, $0x0;
	[sflag:s5] =	ssyncadd.s32 $0xFFFFE000  }
0x8f: {  	p1 =	por @!p0 $0x1, $0x1;
	_ =	swait.ge [sflag:s5], $0x2000  }
0x90: {  	s19 =	simm.s32 $0x1500;
	p1 =	por !p1, p0;
	[sflag:s5] =	ssyncset.done $0x0  }
0x91: {  	s13 =	simm.s32 $0x4;
	s12 =	simm.s32 $0x7FFFDC;
	[sflag:s5] =	ssyncadd.s32 $0xFFFFE000  }
0x92: {  	[spmem:s3] =	stream.indirect.scatter.add.f32 [tilespmem:s29], [sflag:$0x4], $0x80, s19, s1, $0xb8;
	[tilespmem:$0x1FC00] =	vst v63  }
0x93: {  	s13 =	smov.u32 @p1 s12;
	_ =	swait.ge [sflag:s6], $0x4000  }
0x94: {  	s14 =	simm.s32 @!p0 $0x7C00;
	s12 =	sshll.u32 @!p0 s13, $0x9;
	[sflag:s6] =	ssyncset.done $0x0  }
0x95: {  	s13 =	simm.s32 @!p0 $0x40;
	s12 =	sshra.s32 @!p0 s12, $0x2;
	[sflag:s6] =	ssyncadd.s32 $0xFFFFC000  }
0x96: {  	[tilespmem:s14], [sflag:$0x2] =	stream.indirect.gather @!p0 [hbm4b:s2+s13], $0x80, s12, s13, $0xb8;
	[tilespmem:$0x1FC00] =	vst v63  }
0x97: {  	s14 =	simm.s32 @!p0 $0x9C00;
	s12 =	sor.u32 @!p0 $0x40, s12  }
0x98: {  	[tilespmem:s14], [sflag:$0x2] =	stream.indirect.gather @!p0 [hbm4b:s2+s13], $0x80, s12, s13, $0xb8;
	[tilespmem:$0x1FC00] =	vst v63  }
0x99: {  	_ =	swait.ge [sflag:s9], $0x2000  }
0x9a: {  	[sflag:s9] =	ssyncset.done $0x0  }
0x9b: {  	[sflag:s9] =	ssyncadd.s32 $0xFFFFE000  }
0x9c: {  	_ =	swait.ge [sflag:s9], $0x2000  }
0x9d: {  	[sflag:s9] =	ssyncset.done $0x0  }
0x9e: {  	p1 =	por $0x1, $0x1;
	s12 =	simm.s32 $0x1580;
	[sflag:s9] =	ssyncadd.s32 $0xFFFFE000  }
0x9f: {  	[spmem:s3] =	stream.indirect.scatter.add.f32 [tilespmem:s31], [sflag:$0x3], $0x80, s12, s1, $0xb8;
	[tilespmem:$0x1FC00] =	vst v63  }
0xa0: {  	s15 =	simm.s32 @!p1 $0x5;
	s14 =	simm.s32 @!p1 $0x0;
	s13 =	rddreg [dreg:$0x4]  }
0xa1: {  	[tilespmem:s14], [sflag:$0x5] =	stream.linear.gather @!p1 [hbm4b:s13+s14], $0x1380, $0x38;
	[tilespmem:$0x1FC00] =	vst v63  }
0xa2: {  	_ =	swait.ge @!p1 [sflag:s15], $0x1380  }
0xa3: {  	[sflag:s15] =	ssyncset.done @!p1 $0x0  }
0xa4: {  	s16 =	simm.s32 @!p1 $0x40;
	s13 =	simm.s32 @!p1 $0x7C00;
	[sflag:s15] =	ssyncadd.s32 @!p1 $0xFFFFEC80  }
0xa5: {  	[tilespmem:s13], [sflag:$0x2] =	stream.indirect.gather @!p1 [hbm4b:s2+s16], $0x80, s14, s16, $0xb8;
	[tilespmem:$0x1FC00] =	vst v63  }
0xa6: {  	s17 =	simm.s32 @!p1 $0x9C00;
	s13 =	simm.s32 $0x280;
	s14 =	simm.s32 $0x7FFFDE  }
.LBB2_4:
0xa7: {  	[tilespmem:s17], [sflag:$0x2] =	stream.indirect.gather @!p1 [hbm4b:s2+s16], $0x80, s16, s16, $0xb8;
	[tilespmem:$0x1FC00] =	vst v63  }
0xa8: {  	s11 =	sadd.s32 $0x1, s11;
	s15 =	smov.u32 s13;
	_ =	swait.ge [sflag:s7], $0x4000  }
0xa9: {  	p1 =	slt.u32 s11, $0x14;
	s16 =	sadd.s32 $0xFFFFEC00, s15;
	[sflag:s7] =	ssyncset.done $0x0  }
0xaa: {  	s16 =	smov.u32 @p1 s15;
	[sflag:s7] =	ssyncadd.s32 $0xFFFFC000  }
0xab: {  	[tilespmem:s31], [sflag:$0x1] =	stream.indirect.gather [hbm4b:s2+s28], $0x80, s16, s28, $0xb8;
	[tilespmem:$0x1FC00] =	vst v63  }
0xac: {  	s16 =	sadd.s32 $0x40, s16  }
0xad: {  	[tilespmem:s0], [sflag:$0x1] =	stream.indirect.gather [hbm4b:s2+s28], $0x80, s16, s28, $0xb8;
	[tilespmem:$0x1FC00] =	vst v63  }
0xae: {  	_ =	swait.ge [sflag:s5], $0x2000  }
0xaf: {  	[sflag:s5] =	ssyncset.done $0x0  }
0xb0: {  	[sflag:s5] =	ssyncadd.s32 $0xFFFFE000  }
0xb1: {  	s12 =	sadd.s32 $0x100, s12;
	p1 =	seq.s32 s15, $0x1380;
	_ =	swait.ge [sflag:s5], $0x2000  }
0xb2: {  	s19 =	sadd.s32 $0xFFFFFF80, s12;
	p2 =	slt.u32 @!p1 s11, $0x13;
	[sflag:s5] =	ssyncset.done $0x0  }
0xb3: {  	p2 =	por !p2, p1;
	s16 =	sadd.s32 $0xFF800028, s14;
	[sflag:s5] =	ssyncadd.s32 $0xFFFFE000  }
0xb4: {  	[spmem:s3] =	stream.indirect.scatter.add.f32 [tilespmem:s29], [sflag:$0x4], $0x80, s19, s1, $0xb8;
	[tilespmem:$0x1FC00] =	vst v63  }
0xb5: {  	s16 =	smov.u32 @p2 s14;
	_ =	swait.ge [sflag:s6], $0x4000  }
0xb6: {  	s18 =	simm.s32 @!p1 $0x40;
	s16 =	sshll.u32 @!p1 s16, $0x9;
	[sflag:s6] =	ssyncset.done $0x0  }
0xb7: {  	s16 =	sshra.s32 @!p1 s16, $0x2;
	s19 =	simm.s32 @!p1 $0x7C00;
	[sflag:s6] =	ssyncadd.s32 $0xFFFFC000  }
0xb8: {  	[tilespmem:s19], [sflag:$0x2] =	stream.indirect.gather @!p1 [hbm4b:s2+s18], $0x80, s16, s18, $0xb8;
	[tilespmem:$0x1FC00] =	vst v63  }
0xb9: {  	s17 =	simm.s32 @!p1 $0x9C00;
	s16 =	sor.u32 @!p1 $0x40, s16  }
0xba: {  	[tilespmem:s17], [sflag:$0x2] =	stream.indirect.gather @!p1 [hbm4b:s2+s18], $0x80, s16, s18, $0xb8;
	[tilespmem:$0x1FC00] =	vst v63  }
0xbb: {  	_ =	swait.ge [sflag:s9], $0x2000  }
0xbc: {  	[sflag:s9] =	ssyncset.done $0x0  }
0xbd: {  	[sflag:s9] =	ssyncadd.s32 $0xFFFFE000  }
0xbe: {  	_ =	swait.ge [sflag:s9], $0x2000  }
0xbf: {  	[sflag:s9] =	ssyncset.done $0x0  }
0xc0: {  	s13 =	sadd.s32 $0x100, s13;
	p1 =	sne.s32 s15, $0x1380;
	[sflag:s9] =	ssyncadd.s32 $0xFFFFE000  }
0xc1: {  	[spmem:s3] =	stream.indirect.scatter.add.f32 [tilespmem:s31], [sflag:$0x3], $0x80, s12, s1, $0xb8;
	[tilespmem:$0x1FC00] =	vst v63  }
0xc2: {  	p0 =	sne.s32 s13, $0x2780;
	s15 =	simm.s32 @!p1 $0x0;
	s16 =	rddreg [dreg:$0x4]  }
0xc3: {  	[tilespmem:s15], [sflag:$0x5] =	stream.linear.gather @!p1 [hbm4b:s16+s15], $0x1380, $0x38;
	[tilespmem:$0x1FC00] =	vst v63  }
.Ltmp1:
0xc4: {  	s17 =	simm.s32 @!p1 $0x5;
	(pc) =	sbr.rel @p0 .LBB2_4-.Ltmp1, $4  }
0xc5: {  	_ =	swait.ge @!p1 [sflag:s17], $0x1380  }
0xc6: {  	s14 =	sadd.s32 $0x2, s14;
	s18 =	simm.s32 @!p1 $0x7C00;
	[sflag:s17] =	ssyncset.done @!p1 $0x0  }
0xc7: {  	s16 =	simm.s32 @!p1 $0x40;
	[sflag:s17] =	ssyncadd.s32 @!p1 $0xFFFFEC80;
	s17 =	simm.s32 @!p1 $0x9C00  }
0xc8: {  	[tilespmem:s18], [sflag:$0x2] =	stream.indirect.gather @!p1 [hbm4b:s2+s16], $0x80, s15, s16, $0xb8;
	[tilespmem:$0x1FC00] =	vst v63  }
0xc9: {  	[tilespmem:s17], [sflag:$0x2] =	stream.indirect.gather @!p1 [hbm4b:s2+s16], $0x80, s16, s16, $0xb8;
	[tilespmem:$0x1FC00] =	vst v63  }
0xca: {  	_ =	swait.ge [sflag:s7], $0x4000  }
0xcb: {  	[sflag:s7] =	ssyncset.done $0x0  }
0xcc: {  	[sflag:s7] =	ssyncadd.s32 $0xFFFFC000  }
0xcd: {  	_ =	swait.ge [sflag:s5], $0x2000  }
0xce: {  	[sflag:s5] =	ssyncset.done $0x0  }
0xcf: {  	[sflag:s5] =	ssyncadd.s32 $0xFFFFE000  }
0xd0: {  	_ =	swait.ge [sflag:s5], $0x2000  }
0xd1: {  	[sflag:s5] =	ssyncset.done $0x0  }
0xd2: {  	s11 =	simm.s32 $0x3B00;
	[sflag:s5] =	ssyncadd.s32 $0xFFFFE000  }
0xd3: {  	[spmem:s3] =	stream.indirect.scatter.add.f32 [tilespmem:s29], [sflag:$0x4], $0x80, s11, s1, $0xb8;
	[tilespmem:$0x1FC00] =	vst v63  }
0xd4: {  	_ =	swait.ge [sflag:s6], $0x4000  }
0xd5: {  	[sflag:s6] =	ssyncset.done $0x0  }
0xd6: {  	s18 =	stileid.u32;
	[sflag:s6] =	ssyncadd.s32 $0xFFFFC000  }
0xd7: {  	s11 =	sshll.u32 s18, $0x6;
	[bflag:$0x0] =	sbarrier.arrive $0xFFFF  }
0xd8: {  	s12 =	sshrl.u32 s8, $0x3;
	s11 =	sor.u32 $0x1C05, s11;
	s13 =	rddreg [dreg:$0x7]  }
0xd9: {  	[hbm:s13], [sflag:s11] =	dma.local [spmem:s12], $0x2800  }
0xda: {  	_ =	swait.ge [sflag:s25], $0x2800  }
0xdb: {  	s10 =	sadd.s32 $0x1, s10;
	s19 =	rddreg [dreg:$0x8]  }
0xdc: {  	p0 =	sne.s32 s10, s19  }
.Ltmp2:
0xdd: {  	_ = 	snop;
	(pc) =	sbr.rel @p0 .LBB2_1-.Ltmp2, $3  }
0xde: {  	_ =	sdelay $0x1  }
0xdf: {  	[sflag:s25] =	ssyncset.done $0x0  }
0xe0: {  	[sflag:s25] =	ssyncadd.s32 $0xFFFFD800  }
0xe1: {  	_ =	sfence.sel $0x180000  }
0xe2: {  	[bflag:$0x0] =	sbarrier.arrive $0xFFFF  }
0xe3: {  	_ =	strace $0x9000004A  }
0xe4: {  	s0 =	stileid.u32;
	[bflag:$0x2] =	sbarrier.arrive $0xFFFF  }
0xe5: {  	p0 =	sne.s32 s0, $0x0;
	s0 =	rddreg [dreg:$0x3]  }
0xe6: {  	s0 =	sadd.s32 @!p0 $0x100000, s0  }
0xe7: {  	[sflag:s0] =	ssyncadd.tile.s32 @!p0 $0x1;
	_ =	shalt  }
.Lfunc_end2:
_tile_overlayer_lowered:
.L_overlay_start_2:
0xe8: {  	(tag) =	ssettag $0x2  }
0xe9: {  	s0 =	rddreg [dreg:$0x0];
	s2 =	stileid.u32  }
0xea: {  	s1 =	rddreg [dreg:$0x1];
	p0 =	sne.s32 s2, $0x0  }
0xeb: {  	s3 =	rddreg [dreg:$0x2];
	[bflag:$0x3] =	sbarrier.arrive $0xFFFF;
	s2 =	simm.s32 @!p0 $0x1C05  }
0xec: {  	[timem:s3], [sflag:s2] =	dma.local @!p0 [hbm:s0], s1  }
0xed: {  	s0 =	simm.s32 @!p0 $0x5  }
0xee: {  	_ =	swait.ge @!p0 [sflag:s0], s1  }
0xef: {  	s1 =	ssub.s32 @!p0 $0x0, s1;
	[sflag:s0] =	ssyncset.done @!p0 $0x0  }
0xf0: {  	[sflag:s0] =	ssyncadd.s32 @!p0 s1  }
0xf1: {  	[bflag:$0x3] =	sbarrier.arrive $0xFFFF  }
0xf2: {  	_ =	shalt  }

</sc_bundles>
